<compile_context>
chip_gen: v7x
topology: tpu7x:2x2x1
jax: 0.10.2.dev20260603
libtpu: 0.0.44.dev20260713+nightly
codegen_flags: <defaults>
</compile_context>

<pallas_src>
import functools

import jax
import jax.numpy as jnp
from jax import lax
from jax.experimental import pallas as pl
from jax.experimental.pallas import tpu as pltpu
from jax.experimental.pallas import tpu_sc as plsc

N_COL = 3200000
O_COL = N_COL // 2
NUM_CORES = 2
NUM_SUBCORES = 16
NW = NUM_CORES * NUM_SUBCORES
C_IN = 25600
C_OUT = C_IN // 2
N_CHUNK = N_COL // C_IN
MAX_J = -(-N_CHUNK // NW)
FULL_W = N_CHUNK - (MAX_J - 1) * NW

_mesh = plsc.VectorSubcoreMesh(core_axis_name="c", subcore_axis_name="s")


@functools.partial(
    pl.kernel,
    mesh=_mesh,
    out_type=jax.ShapeDtypeStruct((2, O_COL), jnp.int32),
    scratch_types=[
        pltpu.VMEM((2, C_IN), jnp.int32),
        pltpu.VMEM((2, C_IN), jnp.int32),
        pltpu.VMEM((2, C_OUT), jnp.int32),
        pltpu.SemaphoreType.DMA,
        pltpu.SemaphoreType.DMA,
        pltpu.SemaphoreType.DMA,
    ],
    compiler_params=pltpu.CompilerParams(
        needs_layout_passes=False,
        disable_bounds_checks=True,
        disable_semaphore_checks=True,
        skip_device_barrier=True,
    ),
)
def _dilate_sc(in_hbm, out_hbm, in0, in1, out_v, si0, si1, so):
    wid = lax.axis_index("s") * NUM_CORES + lax.axis_index("c")
    iota2 = lax.iota(jnp.int32, 16) * 2
    row_vecs = (jnp.zeros((16,), jnp.int32), jnp.ones((16,), jnp.int32))

    ins, sis = (in0, in1), (si0, si1)

    def in_copy(j, b):
        k = wid + NW * j
        return pltpu.make_async_copy(
            in_hbm.at[:, pl.ds(k * C_IN, C_IN)], ins[b], sis[b])

    def out_copy(j):
        k = wid + NW * j
        return pltpu.make_async_copy(
            out_v, out_hbm.at[:, pl.ds(k * C_OUT, C_OUT)], so)

    def do_chunk(j, b):
        in_copy(j, b).wait()
        if j >= 1:
            out_copy(j - 1).wait()
        src = ins[b]
        for r in (0, 1):
            rv = row_vecs[r]

            @plsc.parallel_loop(0, C_OUT // 16, 1, unroll=16)
            def _(i, src=src, r=r, rv=rv):
                idx = iota2 + i * 32
                out_v[r, pl.ds(i * 16, 16)] = plsc.load_gather(src, [rv, idx])

        out_copy(j).start()

    in_copy(0, 0).start()
    for j in range(MAX_J):
        b = j & 1
        if j + 1 < MAX_J - 1:
            in_copy(j + 1, 1 - b).start()
        elif j + 1 == MAX_J - 1:
            @pl.when(wid < FULL_W)
            def _():
                in_copy(MAX_J - 1, 1 - b).start()
        if j < MAX_J - 1:
            do_chunk(j, b)
        else:
            @pl.when(wid < FULL_W)
            def _():
                do_chunk(j, b)

    out_copy(MAX_J - 2).wait()


def kernel(edge_index):
    return _dilate_sc(edge_index)

# --- scband reference (transcript-rebuilt; emitter-appended) ---
"""Pipeline reference for scband-dilated-74345883894093 (READ-ONLY COPY).

The authoritative reference and input builder live on the scoring server;
editing this copy changes nothing except your own understanding.
"""

import jax, jax.numpy as jnp
import numpy as np

DILATION = 2


def setup_inputs(seed: int = 0) -> dict:
    key = jax.random.key(seed)
    edge_index = jax.random.randint(key, (2, 3200000), 0, 100000, dtype=jnp.int64) if jax.config.jax_enable_x64 else jax.random.randint(key, (2, 3200000), 0, 100000, dtype=jnp.int32)
    return {"edge_index": edge_index}


def reference(edge_index):
    # Non-stochastic (stochastic=False) path of Dilated.forward:
    # edge_index = edge_index[:, ::self.dilation]
    return edge_index[:, ::DILATION]

if __name__ == "__main__":
    import jax
    _d = setup_inputs()
    print(jax.jit(kernel)(*tuple(_d.values())))

</pallas_src>

<mosaic_0001>
#map = affine_map<(d0, d1) -> (0, 0)>
module attributes {stable_mosaic.version = 14 : i64} {
  func.func @_dilate_sc(%arg0: i32, %arg1: i32, %arg2: memref<2x3200000xi32, #tpu.memory_space<hbm>>, %arg3: memref<2x1600000xi32, #tpu.memory_space<hbm>>, %arg4: memref<2x25600xi32, #tpu.memory_space<vmem>>, %arg5: memref<2x25600xi32, #tpu.memory_space<vmem>>, %arg6: memref<2x12800xi32, #tpu.memory_space<vmem>>, %arg7: memref<!tpu.dma_semaphore, #tpu.memory_space<semaphore_mem>>, %arg8: memref<!tpu.dma_semaphore, #tpu.memory_space<semaphore_mem>>, %arg9: memref<!tpu.dma_semaphore, #tpu.memory_space<semaphore_mem>>) attributes {dimension_semantics = [#tpu.dimension_semantics<core_parallel>, #tpu.dimension_semantics<subcore_parallel>], iteration_bounds = array<i64: 2, 16>, scalar_prefetch = 0 : i64, scratch_operands = 6 : i64, tpu.core_type = #tpu.core_type<sc_vector_subcore>, window_params = [{transform_indices = #map}, {transform_indices = #map}]} {
    %mul3A = arith.constant 2 : i32
    %mul3A_0 = arith.muli %arg1, %mul3A : i32
    %add3A = arith.addi %mul3A_0, %arg0 : i32
    %iota3A = tpu.iota {dimensions = array<i32: 0>} : vector<16xi32>
    %mul3A_1 = arith.constant 2 : i32
    %mul3A_2 = vector.broadcast %mul3A_1 : i32 to vector<16xi32>
    %mul3A_3 = arith.muli %iota3A, %mul3A_2 : vector<16xi32>
    %broadcast_in_dim3A = arith.constant 0 : i32
    %broadcast_in_dim3A_4 = vector.broadcast %broadcast_in_dim3A : i32 to vector<16xi32>
    %broadcast_in_dim3A_5 = arith.constant 1 : i32
    %broadcast_in_dim3A_6 = vector.broadcast %broadcast_in_dim3A_5 : i32 to vector<16xi32>
    %add3A_7 = arith.constant 0 : i32
    %add3A_8 = arith.addi %add3A, %add3A_7 : i32
    %mul3A_9 = arith.constant 25600 : i32
    %mul3A_10 = arith.muli %add3A_8, %mul3A_9 : i32
    %dma_start3A = arith.constant 0 : i32
    %dma_start3A_11 = tpu.memref_slice %arg2[%dma_start3A, %mul3A_10] : memref<2x3200000xi32, #tpu.memory_space<hbm>> -> memref<2x25600xi32, #tpu.memory_space<hbm>>
    %dma_start3A_12 = arith.constant 0 : i32
    %dma_start3A_13 = tpu.memref_slice %arg2[%dma_start3A_12, %mul3A_10] : memref<2x3200000xi32, #tpu.memory_space<hbm>> -> memref<2x25600xi32, #tpu.memory_space<hbm>>
    tpu.enqueue_dma source(%dma_start3A_13 : memref<2x25600xi32, #tpu.memory_space<hbm>>) target(%arg4 : memref<2x25600xi32, #tpu.memory_space<vmem>>) target_semaphore(%arg7 : memref<!tpu.dma_semaphore, #tpu.memory_space<semaphore_mem>>)
    %add3A_14 = arith.constant 32 : i32
    %add3A_15 = arith.addi %add3A, %add3A_14 : i32
    %mul3A_16 = arith.constant 25600 : i32
    %mul3A_17 = arith.muli %add3A_15, %mul3A_16 : i32
    %dma_start3A_18 = arith.constant 0 : i32
    %dma_start3A_19 = tpu.memref_slice %arg2[%dma_start3A_18, %mul3A_17] : memref<2x3200000xi32, #tpu.memory_space<hbm>> -> memref<2x25600xi32, #tpu.memory_space<hbm>>
    %dma_start3A_20 = arith.constant 0 : i32
    %dma_start3A_21 = tpu.memref_slice %arg2[%dma_start3A_20, %mul3A_17] : memref<2x3200000xi32, #tpu.memory_space<hbm>> -> memref<2x25600xi32, #tpu.memory_space<hbm>>
    tpu.enqueue_dma source(%dma_start3A_21 : memref<2x25600xi32, #tpu.memory_space<hbm>>) target(%arg5 : memref<2x25600xi32, #tpu.memory_space<vmem>>) target_semaphore(%arg8 : memref<!tpu.dma_semaphore, #tpu.memory_space<semaphore_mem>>)
    %add3A_22 = arith.constant 0 : i32
    %add3A_23 = arith.addi %add3A, %add3A_22 : i32
    %mul3A_24 = arith.constant 25600 : i32
    %mul3A_25 = arith.muli %add3A_23, %mul3A_24 : i32
    %dma_wait3A = arith.constant 0 : i32
    %dma_wait3A_26 = tpu.memref_slice %arg2[%dma_wait3A, %mul3A_25] : memref<2x3200000xi32, #tpu.memory_space<hbm>> -> memref<2x25600xi32, #tpu.memory_space<hbm>>
    %dma_wait3A_27 = arith.constant 0 : i32
    %dma_wait3A_28 = tpu.memref_slice %arg2[%dma_wait3A_27, %mul3A_25] : memref<2x3200000xi32, #tpu.memory_space<hbm>> -> memref<2x25600xi32, #tpu.memory_space<hbm>>
    tpu.wait_dma2 semaphore(%arg7 : memref<!tpu.dma_semaphore, #tpu.memory_space<semaphore_mem>>) src(%dma_wait3A_28 : memref<2x25600xi32, #tpu.memory_space<hbm>>) dst(%arg4 : memref<2x25600xi32, #tpu.memory_space<vmem>>)
    %parallel_loop3A = arith.constant 0 : i32
    %parallel_loop3A_29 = arith.constant 800 : i32
    %parallel_loop3A_30 = arith.constant 1 : i32
    scf.for %parallel_loop3A_125 = %parallel_loop3A to %parallel_loop3A_29 step %parallel_loop3A_30  : i32 {
      %parallel_loop3A_126 = arith.constant 32 : i32
      %parallel_loop3A_127 = arith.muli %parallel_loop3A_125, %parallel_loop3A_126 : i32
      %parallel_loop3A_128 = vector.broadcast %parallel_loop3A_127 : i32 to vector<16xi32>
      %parallel_loop3A_129 = arith.addi %mul3A_3, %parallel_loop3A_128 : vector<16xi32>
      %parallel_loop3A_130 = tpu.vector_load_idx %arg4[%broadcast_in_dim3A_4, %parallel_loop3A_129] : memref<2x25600xi32, #tpu.memory_space<vmem>>[vector<16xi32>, vector<16xi32>], vector<16xi32>,
      %parallel_loop3A_131 = arith.constant 16 : i32
      %parallel_loop3A_132 = arith.muli %parallel_loop3A_125, %parallel_loop3A_131 : i32
      %parallel_loop3A_133 = arith.constant 0 : i32
      %parallel_loop3A_134 = arith.index_cast %parallel_loop3A_133 : i32 to index
      %parallel_loop3A_135 = arith.index_cast %parallel_loop3A_132 : i32 to index
      %parallel_loop3A_136 = tpu.vector_load %arg6[%parallel_loop3A_134, %parallel_loop3A_135] {strides = array<i32>} : memref<2x12800xi32, #tpu.memory_space<vmem>>, vector<16xi32>,
      tpu.vector_store %arg6[%parallel_loop3A_134, %parallel_loop3A_135], %parallel_loop3A_130 {strides = array<i32>} : memref<2x12800xi32, #tpu.memory_space<vmem>>, vector<16xi32>,
    } {sc.loop_unroll_factor = 16 : i64, sc.parallel_access}
    %parallel_loop3A_31 = arith.constant 0 : i32
    %parallel_loop3A_32 = arith.constant 800 : i32
    %parallel_loop3A_33 = arith.constant 1 : i32
    scf.for %parallel_loop3A_125 = %parallel_loop3A_31 to %parallel_loop3A_32 step %parallel_loop3A_33  : i32 {
      %parallel_loop3A_126 = arith.constant 32 : i32
      %parallel_loop3A_127 = arith.muli %parallel_loop3A_125, %parallel_loop3A_126 : i32
      %parallel_loop3A_128 = vector.broadcast %parallel_loop3A_127 : i32 to vector<16xi32>
      %parallel_loop3A_129 = arith.addi %mul3A_3, %parallel_loop3A_128 : vector<16xi32>
      %parallel_loop3A_130 = tpu.vector_load_idx %arg4[%broadcast_in_dim3A_6, %parallel_loop3A_129] : memref<2x25600xi32, #tpu.memory_space<vmem>>[vector<16xi32>, vector<16xi32>], vector<16xi32>,
      %parallel_loop3A_131 = arith.constant 16 : i32
      %parallel_loop3A_132 = arith.muli %parallel_loop3A_125, %parallel_loop3A_131 : i32
      %parallel_loop3A_133 = arith.constant 1 : i32
      %parallel_loop3A_134 = arith.index_cast %parallel_loop3A_133 : i32 to index
      %parallel_loop3A_135 = arith.index_cast %parallel_loop3A_132 : i32 to index
      %parallel_loop3A_136 = tpu.vector_load %arg6[%parallel_loop3A_134, %parallel_loop3A_135] {strides = array<i32>} : memref<2x12800xi32, #tpu.memory_space<vmem>>, vector<16xi32>,
      tpu.vector_store %arg6[%parallel_loop3A_134, %parallel_loop3A_135], %parallel_loop3A_130 {strides = array<i32>} : memref<2x12800xi32, #tpu.memory_space<vmem>>, vector<16xi32>,
    } {sc.loop_unroll_factor = 16 : i64, sc.parallel_access}
    %add3A_34 = arith.constant 0 : i32
    %add3A_35 = arith.addi %add3A, %add3A_34 : i32
    %mul3A_36 = arith.constant 12800 : i32
    %mul3A_37 = arith.muli %add3A_35, %mul3A_36 : i32
    %dma_start3A_38 = arith.constant 0 : i32
    %dma_start3A_39 = tpu.memref_slice %arg3[%dma_start3A_38, %mul3A_37] : memref<2x1600000xi32, #tpu.memory_space<hbm>> -> memref<2x12800xi32, #tpu.memory_space<hbm>>
    %dma_start3A_40 = arith.constant 0 : i32
    %dma_start3A_41 = tpu.memref_slice %arg3[%dma_start3A_40, %mul3A_37] : memref<2x1600000xi32, #tpu.memory_space<hbm>> -> memref<2x12800xi32, #tpu.memory_space<hbm>>
    tpu.enqueue_dma source(%arg6 : memref<2x12800xi32, #tpu.memory_space<vmem>>) target(%dma_start3A_41 : memref<2x12800xi32, #tpu.memory_space<hbm>>) target_semaphore(%arg9 : memref<!tpu.dma_semaphore, #tpu.memory_space<semaphore_mem>>)
    %add3A_42 = arith.constant 64 : i32
    %add3A_43 = arith.addi %add3A, %add3A_42 : i32
    %mul3A_44 = arith.constant 25600 : i32
    %mul3A_45 = arith.muli %add3A_43, %mul3A_44 : i32
    %dma_start3A_46 = arith.constant 0 : i32
    %dma_start3A_47 = tpu.memref_slice %arg2[%dma_start3A_46, %mul3A_45] : memref<2x3200000xi32, #tpu.memory_space<hbm>> -> memref<2x25600xi32, #tpu.memory_space<hbm>>
    %dma_start3A_48 = arith.constant 0 : i32
    %dma_start3A_49 = tpu.memref_slice %arg2[%dma_start3A_48, %mul3A_45] : memref<2x3200000xi32, #tpu.memory_space<hbm>> -> memref<2x25600xi32, #tpu.memory_space<hbm>>
    tpu.enqueue_dma source(%dma_start3A_49 : memref<2x25600xi32, #tpu.memory_space<hbm>>) target(%arg4 : memref<2x25600xi32, #tpu.memory_space<vmem>>) target_semaphore(%arg7 : memref<!tpu.dma_semaphore, #tpu.memory_space<semaphore_mem>>)
    %add3A_50 = arith.constant 32 : i32
    %add3A_51 = arith.addi %add3A, %add3A_50 : i32
    %mul3A_52 = arith.constant 25600 : i32
    %mul3A_53 = arith.muli %add3A_51, %mul3A_52 : i32
    %dma_wait3A_54 = arith.constant 0 : i32
    %dma_wait3A_55 = tpu.memref_slice %arg2[%dma_wait3A_54, %mul3A_53] : memref<2x3200000xi32, #tpu.memory_space<hbm>> -> memref<2x25600xi32, #tpu.memory_space<hbm>>
    %dma_wait3A_56 = arith.constant 0 : i32
    %dma_wait3A_57 = tpu.memref_slice %arg2[%dma_wait3A_56, %mul3A_53] : memref<2x3200000xi32, #tpu.memory_space<hbm>> -> memref<2x25600xi32, #tpu.memory_space<hbm>>
    tpu.wait_dma2 semaphore(%arg8 : memref<!tpu.dma_semaphore, #tpu.memory_space<semaphore_mem>>) src(%dma_wait3A_57 : memref<2x25600xi32, #tpu.memory_space<hbm>>) dst(%arg5 : memref<2x25600xi32, #tpu.memory_space<vmem>>)
    %add3A_58 = arith.constant 0 : i32
    %add3A_59 = arith.addi %add3A, %add3A_58 : i32
    %mul3A_60 = arith.constant 12800 : i32
    %mul3A_61 = arith.muli %add3A_59, %mul3A_60 : i32
    %dma_wait3A_62 = arith.constant 0 : i32
    %dma_wait3A_63 = tpu.memref_slice %arg3[%dma_wait3A_62, %mul3A_61] : memref<2x1600000xi32, #tpu.memory_space<hbm>> -> memref<2x12800xi32, #tpu.memory_space<hbm>>
    %dma_wait3A_64 = arith.constant 0 : i32
    %dma_wait3A_65 = tpu.memref_slice %arg3[%dma_wait3A_64, %mul3A_61] : memref<2x1600000xi32, #tpu.memory_space<hbm>> -> memref<2x12800xi32, #tpu.memory_space<hbm>>
    tpu.wait_dma2 semaphore(%arg9 : memref<!tpu.dma_semaphore, #tpu.memory_space<semaphore_mem>>) src(%arg6 : memref<2x12800xi32, #tpu.memory_space<vmem>>) dst(%dma_wait3A_65 : memref<2x12800xi32, #tpu.memory_space<hbm>>)
    %parallel_loop3A_66 = arith.constant 0 : i32
    %parallel_loop3A_67 = arith.constant 800 : i32
    %parallel_loop3A_68 = arith.constant 1 : i32
    scf.for %parallel_loop3A_125 = %parallel_loop3A_66 to %parallel_loop3A_67 step %parallel_loop3A_68  : i32 {
      %parallel_loop3A_126 = arith.constant 32 : i32
      %parallel_loop3A_127 = arith.muli %parallel_loop3A_125, %parallel_loop3A_126 : i32
      %parallel_loop3A_128 = vector.broadcast %parallel_loop3A_127 : i32 to vector<16xi32>
      %parallel_loop3A_129 = arith.addi %mul3A_3, %parallel_loop3A_128 : vector<16xi32>
      %parallel_loop3A_130 = tpu.vector_load_idx %arg5[%broadcast_in_dim3A_4, %parallel_loop3A_129] : memref<2x25600xi32, #tpu.memory_space<vmem>>[vector<16xi32>, vector<16xi32>], vector<16xi32>,
      %parallel_loop3A_131 = arith.constant 16 : i32
      %parallel_loop3A_132 = arith.muli %parallel_loop3A_125, %parallel_loop3A_131 : i32
      %parallel_loop3A_133 = arith.constant 0 : i32
      %parallel_loop3A_134 = arith.index_cast %parallel_loop3A_133 : i32 to index
      %parallel_loop3A_135 = arith.index_cast %parallel_loop3A_132 : i32 to index
      %parallel_loop3A_136 = tpu.vector_load %arg6[%parallel_loop3A_134, %parallel_loop3A_135] {strides = array<i32>} : memref<2x12800xi32, #tpu.memory_space<vmem>>, vector<16xi32>,
      tpu.vector_store %arg6[%parallel_loop3A_134, %parallel_loop3A_135], %parallel_loop3A_130 {strides = array<i32>} : memref<2x12800xi32, #tpu.memory_space<vmem>>, vector<16xi32>,
    } {sc.loop_unroll_factor = 16 : i64, sc.parallel_access}
    %parallel_loop3A_69 = arith.constant 0 : i32
    %parallel_loop3A_70 = arith.constant 800 : i32
    %parallel_loop3A_71 = arith.constant 1 : i32
    scf.for %parallel_loop3A_125 = %parallel_loop3A_69 to %parallel_loop3A_70 step %parallel_loop3A_71  : i32 {
      %parallel_loop3A_126 = arith.constant 32 : i32
      %parallel_loop3A_127 = arith.muli %parallel_loop3A_125, %parallel_loop3A_126 : i32
      %parallel_loop3A_128 = vector.broadcast %parallel_loop3A_127 : i32 to vector<16xi32>
      %parallel_loop3A_129 = arith.addi %mul3A_3, %parallel_loop3A_128 : vector<16xi32>
      %parallel_loop3A_130 = tpu.vector_load_idx %arg5[%broadcast_in_dim3A_6, %parallel_loop3A_129] : memref<2x25600xi32, #tpu.memory_space<vmem>>[vector<16xi32>, vector<16xi32>], vector<16xi32>,
      %parallel_loop3A_131 = arith.constant 16 : i32
      %parallel_loop3A_132 = arith.muli %parallel_loop3A_125, %parallel_loop3A_131 : i32
      %parallel_loop3A_133 = arith.constant 1 : i32
      %parallel_loop3A_134 = arith.index_cast %parallel_loop3A_133 : i32 to index
      %parallel_loop3A_135 = arith.index_cast %parallel_loop3A_132 : i32 to index
      %parallel_loop3A_136 = tpu.vector_load %arg6[%parallel_loop3A_134, %parallel_loop3A_135] {strides = array<i32>} : memref<2x12800xi32, #tpu.memory_space<vmem>>, vector<16xi32>,
      tpu.vector_store %arg6[%parallel_loop3A_134, %parallel_loop3A_135], %parallel_loop3A_130 {strides = array<i32>} : memref<2x12800xi32, #tpu.memory_space<vmem>>, vector<16xi32>,
    } {sc.loop_unroll_factor = 16 : i64, sc.parallel_access}
    %add3A_72 = arith.constant 32 : i32
    %add3A_73 = arith.addi %add3A, %add3A_72 : i32
    %mul3A_74 = arith.constant 12800 : i32
    %mul3A_75 = arith.muli %add3A_73, %mul3A_74 : i32
    %dma_start3A_76 = arith.constant 0 : i32
    %dma_start3A_77 = tpu.memref_slice %arg3[%dma_start3A_76, %mul3A_75] : memref<2x1600000xi32, #tpu.memory_space<hbm>> -> memref<2x12800xi32, #tpu.memory_space<hbm>>
    %dma_start3A_78 = arith.constant 0 : i32
    %dma_start3A_79 = tpu.memref_slice %arg3[%dma_start3A_78, %mul3A_75] : memref<2x1600000xi32, #tpu.memory_space<hbm>> -> memref<2x12800xi32, #tpu.memory_space<hbm>>
    tpu.enqueue_dma source(%arg6 : memref<2x12800xi32, #tpu.memory_space<vmem>>) target(%dma_start3A_79 : memref<2x12800xi32, #tpu.memory_space<hbm>>) target_semaphore(%arg9 : memref<!tpu.dma_semaphore, #tpu.memory_space<semaphore_mem>>)
    %lt3A = arith.constant 29 : i32
    %lt3A_80 = arith.cmpi slt, %add3A, %lt3A : i32
    %convert_element_type3A = arith.extui %lt3A_80 : i1 to i32
    %cond3A = arith.constant 0 : i32
    %cond3A_81 = arith.cmpi ne, %convert_element_type3A, %cond3A : i32
    scf.if %cond3A_81 {
      %add3A_125 = arith.constant 96 : i32
      %add3A_126 = arith.addi %add3A, %add3A_125 : i32
      %mul3A_127 = arith.constant 25600 : i32
      %mul3A_128 = arith.muli %add3A_126, %mul3A_127 : i32
      %dma_start3A_129 = arith.constant 0 : i32
      %dma_start3A_130 = tpu.memref_slice %arg2[%dma_start3A_129, %mul3A_128] : memref<2x3200000xi32, #tpu.memory_space<hbm>> -> memref<2x25600xi32, #tpu.memory_space<hbm>>
      %dma_start3A_131 = arith.constant 0 : i32
      %dma_start3A_132 = tpu.memref_slice %arg2[%dma_start3A_131, %mul3A_128] : memref<2x3200000xi32, #tpu.memory_space<hbm>> -> memref<2x25600xi32, #tpu.memory_space<hbm>>
      tpu.enqueue_dma source(%dma_start3A_132 : memref<2x25600xi32, #tpu.memory_space<hbm>>) target(%arg5 : memref<2x25600xi32, #tpu.memory_space<vmem>>) target_semaphore(%arg8 : memref<!tpu.dma_semaphore, #tpu.memory_space<semaphore_mem>>)
    } else {
    }
    %add3A_82 = arith.constant 64 : i32
    %add3A_83 = arith.addi %add3A, %add3A_82 : i32
    %mul3A_84 = arith.constant 25600 : i32
    %mul3A_85 = arith.muli %add3A_83, %mul3A_84 : i32
    %dma_wait3A_86 = arith.constant 0 : i32
    %dma_wait3A_87 = tpu.memref_slice %arg2[%dma_wait3A_86, %mul3A_85] : memref<2x3200000xi32, #tpu.memory_space<hbm>> -> memref<2x25600xi32, #tpu.memory_space<hbm>>
    %dma_wait3A_88 = arith.constant 0 : i32
    %dma_wait3A_89 = tpu.memref_slice %arg2[%dma_wait3A_88, %mul3A_85] : memref<2x3200000xi32, #tpu.memory_space<hbm>> -> memref<2x25600xi32, #tpu.memory_space<hbm>>
    tpu.wait_dma2 semaphore(%arg7 : memref<!tpu.dma_semaphore, #tpu.memory_space<semaphore_mem>>) src(%dma_wait3A_89 : memref<2x25600xi32, #tpu.memory_space<hbm>>) dst(%arg4 : memref<2x25600xi32, #tpu.memory_space<vmem>>)
    %add3A_90 = arith.constant 32 : i32
    %add3A_91 = arith.addi %add3A, %add3A_90 : i32
    %mul3A_92 = arith.constant 12800 : i32
    %mul3A_93 = arith.muli %add3A_91, %mul3A_92 : i32
    %dma_wait3A_94 = arith.constant 0 : i32
    %dma_wait3A_95 = tpu.memref_slice %arg3[%dma_wait3A_94, %mul3A_93] : memref<2x1600000xi32, #tpu.memory_space<hbm>> -> memref<2x12800xi32, #tpu.memory_space<hbm>>
    %dma_wait3A_96 = arith.constant 0 : i32
    %dma_wait3A_97 = tpu.memref_slice %arg3[%dma_wait3A_96, %mul3A_93] : memref<2x1600000xi32, #tpu.memory_space<hbm>> -> memref<2x12800xi32, #tpu.memory_space<hbm>>
    tpu.wait_dma2 semaphore(%arg9 : memref<!tpu.dma_semaphore, #tpu.memory_space<semaphore_mem>>) src(%arg6 : memref<2x12800xi32, #tpu.memory_space<vmem>>) dst(%dma_wait3A_97 : memref<2x12800xi32, #tpu.memory_space<hbm>>)
    %parallel_loop3A_98 = arith.constant 0 : i32
    %parallel_loop3A_99 = arith.constant 800 : i32
    %parallel_loop3A_100 = arith.constant 1 : i32
    scf.for %parallel_loop3A_125 = %parallel_loop3A_98 to %parallel_loop3A_99 step %parallel_loop3A_100  : i32 {
      %parallel_loop3A_126 = arith.constant 32 : i32
      %parallel_loop3A_127 = arith.muli %parallel_loop3A_125, %parallel_loop3A_126 : i32
      %parallel_loop3A_128 = vector.broadcast %parallel_loop3A_127 : i32 to vector<16xi32>
      %parallel_loop3A_129 = arith.addi %mul3A_3, %parallel_loop3A_128 : vector<16xi32>
      %parallel_loop3A_130 = tpu.vector_load_idx %arg4[%broadcast_in_dim3A_4, %parallel_loop3A_129] : memref<2x25600xi32, #tpu.memory_space<vmem>>[vector<16xi32>, vector<16xi32>], vector<16xi32>,
      %parallel_loop3A_131 = arith.constant 16 : i32
      %parallel_loop3A_132 = arith.muli %parallel_loop3A_125, %parallel_loop3A_131 : i32
      %parallel_loop3A_133 = arith.constant 0 : i32
      %parallel_loop3A_134 = arith.index_cast %parallel_loop3A_133 : i32 to index
      %parallel_loop3A_135 = arith.index_cast %parallel_loop3A_132 : i32 to index
      %parallel_loop3A_136 = tpu.vector_load %arg6[%parallel_loop3A_134, %parallel_loop3A_135] {strides = array<i32>} : memref<2x12800xi32, #tpu.memory_space<vmem>>, vector<16xi32>,
      tpu.vector_store %arg6[%parallel_loop3A_134, %parallel_loop3A_135], %parallel_loop3A_130 {strides = array<i32>} : memref<2x12800xi32, #tpu.memory_space<vmem>>, vector<16xi32>,
    } {sc.loop_unroll_factor = 16 : i64, sc.parallel_access}
    %parallel_loop3A_101 = arith.constant 0 : i32
    %parallel_loop3A_102 = arith.constant 800 : i32
    %parallel_loop3A_103 = arith.constant 1 : i32
    scf.for %parallel_loop3A_125 = %parallel_loop3A_101 to %parallel_loop3A_102 step %parallel_loop3A_103  : i32 {
      %parallel_loop3A_126 = arith.constant 32 : i32
      %parallel_loop3A_127 = arith.muli %parallel_loop3A_125, %parallel_loop3A_126 : i32
      %parallel_loop3A_128 = vector.broadcast %parallel_loop3A_127 : i32 to vector<16xi32>
      %parallel_loop3A_129 = arith.addi %mul3A_3, %parallel_loop3A_128 : vector<16xi32>
      %parallel_loop3A_130 = tpu.vector_load_idx %arg4[%broadcast_in_dim3A_6, %parallel_loop3A_129] : memref<2x25600xi32, #tpu.memory_space<vmem>>[vector<16xi32>, vector<16xi32>], vector<16xi32>,
      %parallel_loop3A_131 = arith.constant 16 : i32
      %parallel_loop3A_132 = arith.muli %parallel_loop3A_125, %parallel_loop3A_131 : i32
      %parallel_loop3A_133 = arith.constant 1 : i32
      %parallel_loop3A_134 = arith.index_cast %parallel_loop3A_133 : i32 to index
      %parallel_loop3A_135 = arith.index_cast %parallel_loop3A_132 : i32 to index
      %parallel_loop3A_136 = tpu.vector_load %arg6[%parallel_loop3A_134, %parallel_loop3A_135] {strides = array<i32>} : memref<2x12800xi32, #tpu.memory_space<vmem>>, vector<16xi32>,
      tpu.vector_store %arg6[%parallel_loop3A_134, %parallel_loop3A_135], %parallel_loop3A_130 {strides = array<i32>} : memref<2x12800xi32, #tpu.memory_space<vmem>>, vector<16xi32>,
    } {sc.loop_unroll_factor = 16 : i64, sc.parallel_access}
    %add3A_104 = arith.constant 64 : i32
    %add3A_105 = arith.addi %add3A, %add3A_104 : i32
    %mul3A_106 = arith.constant 12800 : i32
    %mul3A_107 = arith.muli %add3A_105, %mul3A_106 : i32
    %dma_start3A_108 = arith.constant 0 : i32
    %dma_start3A_109 = tpu.memref_slice %arg3[%dma_start3A_108, %mul3A_107] : memref<2x1600000xi32, #tpu.memory_space<hbm>> -> memref<2x12800xi32, #tpu.memory_space<hbm>>
    %dma_start3A_110 = arith.constant 0 : i32
    %dma_start3A_111 = tpu.memref_slice %arg3[%dma_start3A_110, %mul3A_107] : memref<2x1600000xi32, #tpu.memory_space<hbm>> -> memref<2x12800xi32, #tpu.memory_space<hbm>>
    tpu.enqueue_dma source(%arg6 : memref<2x12800xi32, #tpu.memory_space<vmem>>) target(%dma_start3A_111 : memref<2x12800xi32, #tpu.memory_space<hbm>>) target_semaphore(%arg9 : memref<!tpu.dma_semaphore, #tpu.memory_space<semaphore_mem>>)
    %lt3A_112 = arith.constant 29 : i32
    %lt3A_113 = arith.cmpi slt, %add3A, %lt3A_112 : i32
    %convert_element_type3A_114 = arith.extui %lt3A_113 : i1 to i32
    %cond3A_115 = arith.constant 0 : i32
    %cond3A_116 = arith.cmpi ne, %convert_element_type3A_114, %cond3A_115 : i32
    scf.if %cond3A_116 {
      %add3A_125 = arith.constant 96 : i32
      %add3A_126 = arith.addi %add3A, %add3A_125 : i32
      %mul3A_127 = arith.constant 25600 : i32
      %mul3A_128 = arith.muli %add3A_126, %mul3A_127 : i32
      %dma_wait3A_129 = arith.constant 0 : i32
      %dma_wait3A_130 = tpu.memref_slice %arg2[%dma_wait3A_129, %mul3A_128] : memref<2x3200000xi32, #tpu.memory_space<hbm>> -> memref<2x25600xi32, #tpu.memory_space<hbm>>
      %dma_wait3A_131 = arith.constant 0 : i32
      %dma_wait3A_132 = tpu.memref_slice %arg2[%dma_wait3A_131, %mul3A_128] : memref<2x3200000xi32, #tpu.memory_space<hbm>> -> memref<2x25600xi32, #tpu.memory_space<hbm>>
      tpu.wait_dma2 semaphore(%arg8 : memref<!tpu.dma_semaphore, #tpu.memory_space<semaphore_mem>>) src(%dma_wait3A_132 : memref<2x25600xi32, #tpu.memory_space<hbm>>) dst(%arg5 : memref<2x25600xi32, #tpu.memory_space<vmem>>)
      %add3A_133 = arith.constant 64 : i32
      %add3A_134 = arith.addi %add3A, %add3A_133 : i32
      %mul3A_135 = arith.constant 12800 : i32
      %mul3A_136 = arith.muli %add3A_134, %mul3A_135 : i32
      %dma_wait3A_137 = arith.constant 0 : i32
      %dma_wait3A_138 = tpu.memref_slice %arg3[%dma_wait3A_137, %mul3A_136] : memref<2x1600000xi32, #tpu.memory_space<hbm>> -> memref<2x12800xi32, #tpu.memory_space<hbm>>
      %dma_wait3A_139 = arith.constant 0 : i32
      %dma_wait3A_140 = tpu.memref_slice %arg3[%dma_wait3A_139, %mul3A_136] : memref<2x1600000xi32, #tpu.memory_space<hbm>> -> memref<2x12800xi32, #tpu.memory_space<hbm>>
      tpu.wait_dma2 semaphore(%arg9 : memref<!tpu.dma_semaphore, #tpu.memory_space<semaphore_mem>>) src(%arg6 : memref<2x12800xi32, #tpu.memory_space<vmem>>) dst(%dma_wait3A_140 : memref<2x12800xi32, #tpu.memory_space<hbm>>)
      %parallel_loop3A_141 = arith.constant 0 : i32
      %parallel_loop3A_142 = arith.constant 800 : i32
      %parallel_loop3A_143 = arith.constant 1 : i32
      scf.for %parallel_loop3A_155 = %parallel_loop3A_141 to %parallel_loop3A_142 step %parallel_loop3A_143  : i32 {
        %parallel_loop3A_156 = arith.constant 32 : i32
        %parallel_loop3A_157 = arith.muli %parallel_loop3A_155, %parallel_loop3A_156 : i32
        %parallel_loop3A_158 = vector.broadcast %parallel_loop3A_157 : i32 to vector<16xi32>
        %parallel_loop3A_159 = arith.addi %mul3A_3, %parallel_loop3A_158 : vector<16xi32>
        %parallel_loop3A_160 = tpu.vector_load_idx %arg5[%broadcast_in_dim3A_4, %parallel_loop3A_159] : memref<2x25600xi32, #tpu.memory_space<vmem>>[vector<16xi32>, vector<16xi32>], vector<16xi32>,
        %parallel_loop3A_161 = arith.constant 16 : i32
        %parallel_loop3A_162 = arith.muli %parallel_loop3A_155, %parallel_loop3A_161 : i32
        %parallel_loop3A_163 = arith.constant 0 : i32
        %parallel_loop3A_164 = arith.index_cast %parallel_loop3A_163 : i32 to index
        %parallel_loop3A_165 = arith.index_cast %parallel_loop3A_162 : i32 to index
        %parallel_loop3A_166 = tpu.vector_load %arg6[%parallel_loop3A_164, %parallel_loop3A_165] {strides = array<i32>} : memref<2x12800xi32, #tpu.memory_space<vmem>>, vector<16xi32>,
        tpu.vector_store %arg6[%parallel_loop3A_164, %parallel_loop3A_165], %parallel_loop3A_160 {strides = array<i32>} : memref<2x12800xi32, #tpu.memory_space<vmem>>, vector<16xi32>,
      } {sc.loop_unroll_factor = 16 : i64, sc.parallel_access}
      %parallel_loop3A_144 = arith.constant 0 : i32
      %parallel_loop3A_145 = arith.constant 800 : i32
      %parallel_loop3A_146 = arith.constant 1 : i32
      scf.for %parallel_loop3A_155 = %parallel_loop3A_144 to %parallel_loop3A_145 step %parallel_loop3A_146  : i32 {
        %parallel_loop3A_156 = arith.constant 32 : i32
        %parallel_loop3A_157 = arith.muli %parallel_loop3A_155, %parallel_loop3A_156 : i32
        %parallel_loop3A_158 = vector.broadcast %parallel_loop3A_157 : i32 to vector<16xi32>
        %parallel_loop3A_159 = arith.addi %mul3A_3, %parallel_loop3A_158 : vector<16xi32>
        %parallel_loop3A_160 = tpu.vector_load_idx %arg5[%broadcast_in_dim3A_6, %parallel_loop3A_159] : memref<2x25600xi32, #tpu.memory_space<vmem>>[vector<16xi32>, vector<16xi32>], vector<16xi32>,
        %parallel_loop3A_161 = arith.constant 16 : i32
        %parallel_loop3A_162 = arith.muli %parallel_loop3A_155, %parallel_loop3A_161 : i32
        %parallel_loop3A_163 = arith.constant 1 : i32
        %parallel_loop3A_164 = arith.index_cast %parallel_loop3A_163 : i32 to index
        %parallel_loop3A_165 = arith.index_cast %parallel_loop3A_162 : i32 to index
        %parallel_loop3A_166 = tpu.vector_load %arg6[%parallel_loop3A_164, %parallel_loop3A_165] {strides = array<i32>} : memref<2x12800xi32, #tpu.memory_space<vmem>>, vector<16xi32>,
        tpu.vector_store %arg6[%parallel_loop3A_164, %parallel_loop3A_165], %parallel_loop3A_160 {strides = array<i32>} : memref<2x12800xi32, #tpu.memory_space<vmem>>, vector<16xi32>,
      } {sc.loop_unroll_factor = 16 : i64, sc.parallel_access}
      %add3A_147 = arith.constant 96 : i32
      %add3A_148 = arith.addi %add3A, %add3A_147 : i32
      %mul3A_149 = arith.constant 12800 : i32
      %mul3A_150 = arith.muli %add3A_148, %mul3A_149 : i32
      %dma_start3A_151 = arith.constant 0 : i32
      %dma_start3A_152 = tpu.memref_slice %arg3[%dma_start3A_151, %mul3A_150] : memref<2x1600000xi32, #tpu.memory_space<hbm>> -> memref<2x12800xi32, #tpu.memory_space<hbm>>
      %dma_start3A_153 = arith.constant 0 : i32
      %dma_start3A_154 = tpu.memref_slice %arg3[%dma_start3A_153, %mul3A_150] : memref<2x1600000xi32, #tpu.memory_space<hbm>> -> memref<2x12800xi32, #tpu.memory_space<hbm>>
      tpu.enqueue_dma source(%arg6 : memref<2x12800xi32, #tpu.memory_space<vmem>>) target(%dma_start3A_154 : memref<2x12800xi32, #tpu.memory_space<hbm>>) target_semaphore(%arg9 : memref<!tpu.dma_semaphore, #tpu.memory_space<semaphore_mem>>)
    } else {
    }
    %add3A_117 = arith.constant 64 : i32
    %add3A_118 = arith.addi %add3A, %add3A_117 : i32
    %mul3A_119 = arith.constant 12800 : i32
    %mul3A_120 = arith.muli %add3A_118, %mul3A_119 : i32
    %dma_wait3A_121 = arith.constant 0 : i32
    %dma_wait3A_122 = tpu.memref_slice %arg3[%dma_wait3A_121, %mul3A_120] : memref<2x1600000xi32, #tpu.memory_space<hbm>> -> memref<2x12800xi32, #tpu.memory_space<hbm>>
    %dma_wait3A_123 = arith.constant 0 : i32
    %dma_wait3A_124 = tpu.memref_slice %arg3[%dma_wait3A_123, %mul3A_120] : memref<2x1600000xi32, #tpu.memory_space<hbm>> -> memref<2x12800xi32, #tpu.memory_space<hbm>>
    tpu.wait_dma2 semaphore(%arg9 : memref<!tpu.dma_semaphore, #tpu.memory_space<semaphore_mem>>) src(%arg6 : memref<2x12800xi32, #tpu.memory_space<vmem>>) dst(%dma_wait3A_124 : memref<2x12800xi32, #tpu.memory_space<hbm>>)
    return
  }
}

</mosaic_0001>

<sc_bundles>
// kernel: kernel.3.cloned.1.call-start
scs
__scs_entry_jumppad:
0x0: {  	(pc) =	sbr.rel $0x88, $3  }
0x1: {  	(tag) =	ssettag $0x0;
	lr =	simm.s32 $0x1  }
0x2: {  	[smem:$0x3FA0] =	sst lr;
	_ =	strace $0xD0000000  }
0x3: {  	_ = 	snop  }
0x4: {  	_ = 	snop  }
0x5: {  	_ = 	snop  }
0x6: {  	_ = 	snop  }
0x7: {  	_ = 	snop  }
__scs_overlays_trampoline_lowered:
0x8: {  	[smem:$0x3FAF] =	sst s0  }
0x9: {  	[smem:$0x3FB0] =	sst s1  }
0xa: {  	[smem:$0x3FB1] =	sst s2  }
0xb: {  	[smem:$0x3FB2] =	sst s3  }
0xc: {  	[smem:$0x3FB3] =	sst s4  }
0xd: {  	[smem:$0x3FB4] =	sst s5  }
0xe: {  	[smem:$0x3FB5] =	sst s6  }
0xf: {  	[smem:$0x3FB6] =	sst s7  }
0x10: {  	[smem:$0x3FB7] =	sst s8  }
0x11: {  	[smem:$0x3FB8] =	sst s9;
	s0 =	simm.s32 @!p0 $0x0  }
0x12: {  	s1 =	sld [smem:$0x3F9E];
	s0 =	simm.s32 @p0 $0x1  }
0x13: {  	[smem:$0x3FB9] =	sst s0;
	s0 =	simm.s32 @!p1 $0x0  }
0x14: {  	s2 =	sld [smem:$0x3F9D];
	s0 =	simm.s32 @p1 $0x1  }
0x15: {  	[smem:$0x3FBA] =	sst s0;
	s0 =	simm.s32 @!p2 $0x0  }
0x16: {  	s3 =	sld [smem:$0x3FDB];
	s0 =	simm.s32 @p2 $0x1  }
0x17: {  	s4 =	simm.s32 $0x1BF5;
	[smem:$0x3FBC] =	sst s0  }
0x18: {  	s0 =	sld [smem:$0x3F9F];
	_ =	swait.ge [sflag:s4], $0x0  }
0x19: {  	s7 =	sld [smem:$0x3FA0]  }
0x1a: {  	s8 =	sadd.s32 $0xFFFFE003, lr  }
0x1b: {  	s9 =	sadd.s32 $0xFFFFFEF7, lr;
	s5 =	simm.s32 $0xFFFFFFFF;
	p2 =	slt.u32 s8, $0xFFFFF086  }
0x1c: {  	p1 =	slt.u32 s9, $0xF7A;
	s5 =	simm.s32 @!p2 $0x0  }
0x1d: {  	s5 =	simm.s32 @p1 $0x1;
	p0 =	seq.s32 s7, s2  }
0x1e: {  	s7 =	smul.u32 @!p0 $0xF7A, s2;
	p2 =	seq.s32 @!p0 s5, $0x0  }
0x1f: {  	s9 =	smul.u32 $0xF7A, s1;
	s8 =	simm.s32 @!p0 $0x1BF5;
	p2 =	por !p2, p0  }
0x20: {  	[sflag:s8] =	ssyncset.s32 @!p0 $0xFFFFF086;
	s6 =	sadd.s32 @!p0 s3, s7;
	s7 =	simm.s32 @!p0 $0x108  }
0x21: {  	s3 =	sadd.s32 s3, s9;
	s6 =	sadd.s32 @!p0 $0x88, s6;
	s7 =	simm.s32 @p2 $0x1082  }
0x22: {  	[simem:s7], [sflag:s8] =	dma.local @!p0 [hbm:s6], $0xF7A  }
0x23: {  	s9 =	sor.u32 $0xD0000000, s2;
	s6 =	simm.s32 $0x108;
	_ =	swait.ge @!p0 [sflag:s8], $0x0  }
0x24: {  	s3 =	sadd.s32 $0x88, s3;
	s6 =	simm.s32 @!p1 $0x1082;
	[sflag:s4] =	ssyncset.s32 $0xFFFFF086  }
0x25: {  	[simem:s6], [sflag:s4] =	dma.local [hbm:s3], $0xF7A  }
0x26: {  	[smem:$0x3FA0] =	sst s1;
	(tag) =	ssettag s2;
	_ =	strace s9  }
0x27: {  	s1 =	sld [smem:$0x3FB0]  }
0x28: {  	s2 =	sld [smem:$0x3FB1]  }
0x29: {  	s4 =	sld [smem:$0x3FB3]  }
0x2a: {  	p0 =	seq.s32 s5, $0x0;
	s5 =	sld [smem:$0x3FB4]  }
0x2b: {  	s6 =	sld [smem:$0x3FB5]  }
0x2c: {  	s7 =	sld [smem:$0x3FB6]  }
0x2d: {  	s3 =	simm.s32 $0x108;
	s8 =	sld [smem:$0x3FB7]  }
0x2e: {  	s3 =	simm.s32 @!p0 $0x1082;
	s9 =	sld [smem:$0x3FB8]  }
0x2f: {  	lr =	sadd.s32 s0, s3;
	s0 =	sld [smem:$0x3FAF]  }
0x30: {  	s3 =	sld [smem:$0x3FB2]  }
0x31: {  	[smem:$0x3FBB] =	sst s10  }
0x32: {  	s10 =	sld [smem:$0x3FB9];
	_ =	sdelay $0x3  }
0x33: {  	p0 =	seq.s32 s10, $0x1;
	s10 =	sld [smem:$0x3FBB];
	_ =	sdelay $0x3  }
0x34: {  	[smem:$0x3FBB] =	sst s10  }
0x35: {  	s10 =	sld [smem:$0x3FBA];
	_ =	sdelay $0x3  }
0x36: {  	p1 =	seq.s32 s10, $0x1;
	s10 =	sld [smem:$0x3FBB];
	_ =	sdelay $0x3  }
0x37: {  	[smem:$0x3FBB] =	sst s10  }
0x38: {  	s10 =	sld [smem:$0x3FBC]  }
0x39: {  	_ = 	snop;
	(pc) =	sbr.ind lr, $3  }
0x3a: {  	_ = 	snop  }
0x3b: {  	_ = 	snop  }
0x3c: {  	p2 =	seq.s32 s10, $0x1;
	s10 =	sld [smem:$0x3FBB]  }
0x3d: {  	_ =	shalt  }
0x3e: {  	_ =	shalt  }
0x3f: {  	_ =	shalt  }
0x40: {  	_ =	shalt  }
0x41: {  	_ =	shalt  }
0x42: {  	_ =	shalt  }
0x43: {  	_ =	shalt  }
0x44: {  	_ =	shalt  }
0x45: {  	_ =	shalt  }
0x46: {  	_ =	shalt  }
0x47: {  	_ =	shalt  }
0x48: {  	_ =	shalt  }
0x49: {  	_ =	shalt  }
0x4a: {  	_ =	shalt  }
0x4b: {  	_ =	shalt  }
0x4c: {  	_ =	shalt  }
0x4d: {  	_ =	shalt  }
0x4e: {  	_ =	shalt  }
0x4f: {  	_ =	shalt  }
0x50: {  	_ =	shalt  }
0x51: {  	_ =	shalt  }
0x52: {  	_ =	shalt  }
0x53: {  	_ =	shalt  }
0x54: {  	_ =	shalt  }
0x55: {  	_ =	shalt  }
0x56: {  	_ =	shalt  }
0x57: {  	_ =	shalt  }
0x58: {  	_ =	shalt  }
0x59: {  	_ =	shalt  }
0x5a: {  	_ =	shalt  }
0x5b: {  	_ =	shalt  }
0x5c: {  	_ =	shalt  }
0x5d: {  	_ =	shalt  }
0x5e: {  	_ =	shalt  }
0x5f: {  	_ =	shalt  }
0x60: {  	_ =	shalt  }
0x61: {  	_ =	shalt  }
0x62: {  	_ =	shalt  }
0x63: {  	_ =	shalt  }
0x64: {  	_ =	shalt  }
0x65: {  	_ =	shalt  }
0x66: {  	_ =	shalt  }
0x67: {  	_ =	shalt  }
0x68: {  	_ =	shalt  }
0x69: {  	_ =	shalt  }
0x6a: {  	_ =	shalt  }
0x6b: {  	_ =	shalt  }
0x6c: {  	_ =	shalt  }
0x6d: {  	_ =	shalt  }
0x6e: {  	_ =	shalt  }
0x6f: {  	_ =	shalt  }
0x70: {  	_ =	shalt  }
0x71: {  	_ =	shalt  }
0x72: {  	_ =	shalt  }
0x73: {  	_ =	shalt  }
0x74: {  	_ =	shalt  }
0x75: {  	_ =	shalt  }
0x76: {  	_ =	shalt  }
0x77: {  	_ =	shalt  }
0x78: {  	_ =	shalt  }
0x79: {  	_ =	shalt  }
0x7a: {  	_ =	shalt  }
0x7b: {  	_ =	shalt  }
0x7c: {  	_ =	shalt  }
0x7d: {  	_ =	shalt  }
0x7e: {  	_ =	shalt  }
0x7f: {  	_ =	shalt  }
0x80: {  	_ =	shalt  }
0x81: {  	_ =	shalt  }
0x82: {  	_ =	shalt  }
0x83: {  	_ =	shalt  }
0x84: {  	_ =	shalt  }
0x85: {  	_ =	shalt  }
0x86: {  	_ =	shalt  }
0x87: {  	_ =	shalt  }
.Lfunc_end0:
.L_simem_size_0:
called_computation_lowered:
.L_overlay_start_0:
0x88: {  	s2 =	sld [smem:$0x3FD9]  }
0x89: {  	s3 =	sld [smem:$0x3FFE];
	_ =	sdelay $0x1  }
0x8a: {  	s1 =	srdreg.scid  }
0x8b: {  	s0 =	sand.u32 $0x1, s1  }
0x8c: {  	s18 =	sshll.u32 s0, $0xA;
	s2 =	sadd.s32 s3, s2  }
0x8d: {  	s2 =	sadd.s32 s2, s18  }
0x8e: {  	[smem:$0x3FC7] =	sst s2  }
0x8f: {  	_ = 	snop  }
0x90: {  	s2 =	sld [smem:$0x3FC9]  }
0x91: {  	s19 =	sld [smem:$0x3FD0];
	(tm) =	ssettm $0x1  }
0x92: {  	s4 =	sld [smem:$0x3FFB];
	_ =	sdelay $0x3  }
0x93: {  	_ =	strace s4  }
0x94: {  	s4 =	sld [smem:$0x3FFC];
	_ =	sdelay $0x3  }
0x95: {  	_ =	strace s4  }
0x96: {  	s4 =	sld [smem:$0x3FFD];
	_ =	sdelay $0x3  }
0x97: {  	_ =	strace s4  }
0x98: {  	_ =	strace $0x8FFFFFFF  }
0x99: {  	s20 =	sld [smem:$0x3FDB];
	_ =	sdelay $0x1  }
0x9a: {  	s5 =	simm.s32 $_scs_section_size  }
0x9b: {  	s6 =	simm.s32 $_size__tile_overlayer_lowered;
	s7 =	simm.s32 $_tile_overlayer_lowered  }
0x9c: {  	s23 =	simm.s32 $0x1BFF;
	s22 =	sshll.u32 s7, $0x1;
	s4 =	sadd.s32 s5, s20  }
0x9d: {  	s8 =	simm.s32 $0x0;
	s21 =	sshll.u32 s6, $0x1;
	s6 =	sadd.s32 s22, s4  }
0x9e: {  	[timem:s8], [sflag:s23] =	dma.local [hbm:s6], s21  }
0x9f: {  	_ =	swait.ge [sflag:s23], s21  }
0xa0: {  	s5 =	ssub.s32 $0x0, s21;
	[sflag:s23] =	ssyncset.done $0x0  }
0xa1: {  	[sflag:s23] =	ssyncadd.s32 s5;
	_ =	sdelay $0x1  }
0xa2: {  	s24 =	simm.s32 $0x1B8B  }
0xa3: {  	_ =	swait.ge [sflag:s24], $0x1  }
0xa4: {  	[sflag:s24] =	ssyncset.done $0x0  }
0xa5: {  	s25 =	simm.s32 $0x1B8E;
	[sflag:s24] =	ssyncadd.s32 $0xFFFFFFFF  }
0xa6: {  	s26 =	simm.s32 $execute0_lowered;
	[smem:$0x3FD2] =	sst s25  }
0xa7: {  	s5 =	sshll.u32 s26, $0x1;
	_ =	strace $0x80000046;
	[dreg:$0x1] =	wrdreg $0xFFFFFFFF  }
0xa8: {  	s28 =	simm.s32 $_size_execute0_lowered;
	s4 =	sadd.s32 s4, s5;
	[dreg:$0x0] =	wrdreg $0x0  }
0xa9: {  	s5 =	sshll.u32 s28, $0x1;
	[dreg:$0x2] =	wrdreg s4  }
0xaa: {  	[dreg:$0x3] =	wrdreg s5  }
0xab: {  	[dreg:$0x4] =	wrdreg $0xC0  }
0xac: {  	_ =	task [dreg:s8], $0x5FFFF  }
0xad: {  	[dreg:$0x1] =	wrdreg $0xFFFFFFFF  }
0xae: {  	[dreg:$0x0] =	wrdreg $0x60  }
0xaf: {  	[dreg:$0x2] =	wrdreg s2  }
0xb0: {  	[dreg:$0x3] =	wrdreg s19  }
0xb1: {  	[dreg:$0x4] =	wrdreg $0x9  }
0xb2: {  	_ =	task.clear_ibuf [dreg:s8], $0x5FFFF;
	_ =	strace $0x90000046  }
0xb3: {  	s29 =	simm.s32 $0x9;
	_ =	strace $0x80000048  }
0xb4: {  	_ =	swait.ge [sflag:s29], $0x1  }
0xb5: {  	[sflag:s29] =	ssyncadd.s32 $0xFFFFFFFF  }
0xb6: {  	_ =	strace $0x90000048  }
0xb7: {  	_ =	sfence  }
0xb8: {  	s30 =	sld [smem:$0x0];
	_ =	sdelay $0x2  }
0xb9: {  	s31 =	sshll.u32 s1, $0xD;
	s1 =	sshrl.u32 s1, $0x2  }
0xba: {  	s3 =	sand.u32 $0x4000, s31;
	s1 =	sadd.s32 s1, s30  }
0xbb: {  	s0 =	sor.u32 s3, s0;
	s1 =	sshll.u32 s1, $0x11  }
0xbc: {  	s0 =	sor.u32 s1, s0  }
0xbd: {  	s0 =	sadd.s32 $0x8F2B, s0  }
0xbe: {  	[sflag:s0] =	ssyncadd.remote.s32 $0x1  }
0xbf: {  	_ =	sfence.sel $0xFFFF  }
0xc0: {  	[dreg:$0x0] =	wrdreg $0xFFFFFFFF;
	(pc) =	sbr.abs _section_cstart, $3  }
0xc1: {  	[dreg:$0x1] =	wrdreg $0xFFFFFFFF  }
0xc2: {  	_ =	task.clear_ibuf [dreg:s8], $0x2FFFF;
	_ =	strace $0x9FFFFFFF  }
0xc3: {  	(tm) =	ssettm $0x7FFFFFFF  }
tec
execute0_lowered:
.L_overlay_start_1:
0x0: {  	(tag) =	ssettag $0x1  }
0x1: {  	s1 =	srdreg.scid;
	s0 =	stileid.u32  }
0x2: {  	s3 =	sand.u32 $0x1, s1;
	s29 =	sshll.u32 s0, $0x1  }
0x3: {  	s17 =	sor.u32 s3, s29  }
0x4: {  	s8 =	rddreg [dreg:$0x0];
	s4 =	smul.u32 $0x1900, s17  }
0x5: {  	s10 =	rddreg [dreg:$0x1];
	s7 =	smul.u32 $0xC80, s17  }
0x6: {  	s2 =	simm.s32 $0x0;
	s16 =	simm.s32 $0x3;
	s14 =	smul.u32 $0xC800, s17  }
0x7: {  	s1 =	rddreg [dreg:$0x2];
	s5 =	sor.u32 $0x20, s17;
	s15 =	smul.u32 $0x6400, s17  }
0x8: {  	[smem:$0x7FF] =	sst s2;
	s9 =	sor.u32 $0x40, s17;
	s6 =	smul.u32 $0x1900, s5  }
0x9: {  	s3 =	ssub.s32 $0x2, s3;
	_ =	strace $0x80000047;
	s11 =	smul.u32 $0x1900, s9  }
0xa: {  	s12 =	sshrl.u32 s3, $0x1;
	p0 =	sgt.u32 s17, $0x1C;
	s13 =	smul.u32 $0xC80, s5  }
0xb: {  	s17 =	simm.s32 $0x0;
	s12 =	ssub.s32 s3, s12;
	s9 =	smul.u32 $0xC80, s9  }
0xc: {  	s3 =	sadd.s32 s8, s4;
	s5 =	sadd.s32 s10, s7;
	s30 =	sshrl.u32 s14, $0x3  }
.Ltmp0:
0xd: {  	s31 =	sshrl.u32 s15, $0x3;
	s14 =	simm.s32 $0x19000;
	(pc) =	sbr.rel .LBB2_1-.Ltmp0, $4  }
0xe: {  	v0 =	vlaneseq.u32;
	s15 =	simm.s32 $0x2;
	s4 =	sadd.s32 s8, s6;
	s6 =	sadd.s32 s8, s11  }
0xf: {  	v1 =	vimm.s32 $0x0;
	vm0 =	vcmask $0x300;
	v0 =	vmul.u32 $0x2, v0;
	s7 =	sadd.s32 s10, s13;
	s8 =	sadd.s32 s8, s30;
	s9 =	sadd.s32 s10, s9  }
0x10: {  	v1 =	vsel vm0, $0x8, v1;
	s10 =	sadd.s32 s10, s31;
	s11 =	smax.u32 s12, $0x1;
	s12 =	simm.s32 $0xC800  }
0x11: {  	v2 =	vor.u32 $0x20, v0;
	v3 =	vor.u32 $0x40, v0;
	v4 =	vor.u32 $0x60, v0;
	s13 =	simm.s32 $0x1;
	s8 =	sadd.s32 $0x96000, s8;
	s10 =	sadd.s32 $0x4B000, s10  }
.LBB2_18:
0x12: {  	_ =	sdelay $0x3  }
0x13: {  	v19 =	vld.idx.msk [tilespmem:v19+s12+$0x0], $0xffff  }
0x14: {  	v17 =	vld.idx.msk [tilespmem:v17+s12+$0x0], $0xffff  }
0x15: {  	v16 =	vld.idx.msk [tilespmem:v16+s12+$0x0], $0xffff;
	[tilespmem:s18+$0x0] =	vst v15  }
0x16: {  	v14 =	vld.idx.msk [tilespmem:v14+s12+$0x0], $0xffff;
	[tilespmem:s19+$0xFFFFFF00] =	vst v11  }
0x17: {  	v59 =	vld.idx.msk [tilespmem:v12+s12+$0x0], $0xffff;
	[tilespmem:s19+$0xFFFFFF10] =	vst v13  }
0x18: {  	v60 =	vor.u32 v2, v20;
	v10 =	vld.idx.msk [tilespmem:v10+s12+$0x0], $0xffff;
	[tilespmem:s19+$0xFFFFFF20] =	vst v19  }
0x19: {  	v61 =	vor.u32 v3, v18;
	v9 =	vld.idx.msk [tilespmem:v9+s12+$0x0], $0xffff;
	[tilespmem:s19+$0xFFFFFF30] =	vst v17  }
0x1a: {  	v8 =	vld.idx.msk [tilespmem:v8+s12+$0x0], $0xffff;
	v5 =	vor.u32 v0, v5;
	[tilespmem:s19+$0xFFFFFF40] =	vst v16  }
0x1b: {  	v7 =	vld.idx.msk [tilespmem:v7+s12+$0x0], $0xffff;
	[tilespmem:s19+$0xFFFFFF50] =	vst v14  }
0x1c: {  	v6 =	vld.idx.msk [tilespmem:v6+s12+$0x0], $0xffff;
	[tilespmem:s19+$0xFFFFFF60] =	vst v59  }
0x1d: {  	v62 =	vld.idx.msk [tilespmem:v60+s12+$0x0], $0xffff;
	[tilespmem:s19+$0xFFFFFF70] =	vst v10  }
0x1e: {  	v63 =	vld.idx.msk [tilespmem:v61+s12+$0x0], $0xffff;
	[tilespmem:s19+$0x10] =	vst v9  }
0x1f: {  	[tilespmem:s19+$0x20] =	vst v8;
	v5 =	vld.idx.msk [tilespmem:v5+s12+$0x0], $0xffff  }
0x20: {  	[tilespmem:s19+$0x30] =	vst v7  }
0x21: {  	[tilespmem:s19+$0x40] =	vst v6  }
0x22: {  	[tilespmem:s19+$0x50] =	vst v62  }
0x23: {  	[tilespmem:s19+$0x60] =	vst v63  }
0x24: {  	[tilespmem:s19+$0x0] =	vst v5  }
0x25: {  	[hbm4b:s10+s2] =	stream.linear.scatter [tilespmem:s14], [sflag:$0x3], $0x6400, $0x38;
	[tilespmem:$0x1F400] =	vst v63  }
.LBB2_19:
0x26: {  	s17 =	sadd.s32 $0x1, s17  }
0x27: {  	p1 =	sne.s32 s17, s11  }
.Ltmp1:
0x28: {  	_ = 	snop;
	(pc) =	sbr.rel @!p1 .LBB2_20-.Ltmp1, $4  }
0x29: {  	_ = 	snop  }
0x2a: {  	_ =	swait.ge [sflag:s16], $0x6400  }
0x2b: {  	[sflag:s16] =	ssyncset.done $0x0  }
0x2c: {  	[sflag:s16] =	ssyncadd.s32 $0xFFFF9C00  }
.LBB2_1:
0x2d: {  	s18 =	simm.s32 $0x100;
	s19 =	simm.s32 $0x80;
	s22 =	simm.s32 $0x1E0  }
0x2e: {  	s23 =	simm.s32 $0xA0;
	s20 =	simm.s32 $0xC0;
	s24 =	simm.s32 $0xE0;
	v5 =	vmov s18;
	v6 =	vmov s19;
	v7 =	vmov s22  }
0x2f: {  	s25 =	simm.s32 $0x120;
	s28 =	simm.s32 $0x160;
	s29 =	simm.s32 $0x0;
	v8 =	vmov s23;
	v9 =	vmov s20;
	v10 =	vmov s24  }
0x30: {  	s30 =	simm.s32 $0x180;
	s21 =	simm.s32 $0x1A0;
	s31 =	simm.s32 $0x1C0;
	v12 =	vmov s25;
	v13 =	vmov s28;
	v15 =	vmov s29  }
0x31: {  	v16 =	vmov s30;
	v17 =	vmov s21;
	v18 =	vmov s31  }
0x32: {  	v5 =	vshrl.u32 v5, $0x7;
	v7 =	vshrl.u32 v7, $0x7;
	v15 =	vshrl.u32 v15, $0x7  }
0x33: {  	v6 =	vshrl.u32 v6, $0x7;
	v8 =	vshrl.u32 v8, $0x7;
	v9 =	vshrl.u32 v9, $0x7  }
0x34: {  	s20 =	simm.s32 $0x280;
	v10 =	vshrl.u32 v10, $0x7;
	v12 =	vshrl.u32 v12, $0x7;
	v20 =	vshrl.u32 v13, $0x7  }
0x35: {  	s23 =	simm.s32 $0x2C0;
	s24 =	simm.s32 $0x2E0;
	s25 =	simm.s32 $0x320;
	v21 =	vshrl.u32 v16, $0x7;
	v22 =	vshrl.u32 v17, $0x7;
	v35 =	vmov s20  }
0x36: {  	s28 =	simm.s32 $0x360;
	s29 =	simm.s32 $0x380;
	s31 =	simm.s32 $0x3C0;
	v38 =	vmov s23;
	v39 =	vmov s24;
	v40 =	vmov s25  }
0x37: {  	s26 =	simm.s32 $0x140;
	v42 =	vmov s28;
	v45 =	vmov s29;
	v46 =	vmov s31  }
0x38: {  	v11 =	vshll.u32 v7, v1;
	v7 =	vmov s26;
	v17 =	vshll.u32 v15, v1  }
0x39: {  	v16 =	vshll.u32 v6, v1;
	v6 =	vshrl.u32 v18, $0x7;
	v15 =	vshll.u32 v8, v1  }
0x3a: {  	v13 =	vshll.u32 v10, v1;
	v12 =	vshll.u32 v12, v1;
	v8 =	vshll.u32 v21, v1  }
0x3b: {  	v5 =	vshll.u32 v5, v1;
	v51 =	vshrl.u32 v40, $0x7;
	v53 =	vshrl.u32 v42, $0x7  }
0x3c: {  	v54 =	vshrl.u32 v45, $0x7;
	v14 =	vbroadcast v11, $0x0;
	v18 =	vbroadcast v17, $0x0  }
0x3d: {  	[tilespmem:s2], [sflag:$0x1] =	stream.linear.gather [hbm4b:s3+s2], $0xC800, $0x38;
	v7 =	vshrl.u32 v7, $0x7;
	v21 =	vbroadcast v15, $0x0;
	v24 =	vbroadcast v13, $0x0;
	[tilespmem:$0x1F400] =	vst v63  }
0x3e: {  	s26 =	simm.s32 $0x340;
	v6 =	vshll.u32 v6, v1;
	v25 =	vbroadcast v12, $0x0;
	v30 =	vbroadcast v8, $0x0  }
0x3f: {  	v41 =	vmov s26;
	v10 =	vshll.u32 v7, v1;
	v19 =	vor.u32 v4, v14  }
0x40: {  	[tilespmem:s12], [sflag:$0x2] =	stream.linear.gather [hbm4b:s4+s2], $0xC800, $0x38;
	v7 =	vshll.u32 v22, v1;
	v33 =	vbroadcast v6, $0x0;
	v23 =	vor.u32 v0, v18;
	[tilespmem:$0x1F400] =	vst v63  }
0x41: {  	_ =	swait.ge [sflag:s13], $0xC800;
	v14 =	vshll.u32 v9, v1;
	v9 =	vshll.u32 v20, v1;
	v26 =	vor.u32 v2, v18  }
0x42: {  	[sflag:s13] =	ssyncset.done $0x0;
	v20 =	vbroadcast v16, $0x0;
	v27 =	vbroadcast v10, $0x0;
	v29 =	vor.u32 v3, v18  }
0x43: {  	[sflag:s13] =	ssyncadd.s32 $0xFFFF3800;
	v31 =	vbroadcast v7, $0x0;
	v32 =	vor.u32 v4, v18;
	v18 =	vbroadcast v5, $0x0  }
0x44: {  	v21 =	vor.u32 v2, v21;
	v24 =	vor.u32 v4, v24;
	v25 =	vor.u32 v2, v25;
	v19 =	vld.idx.msk [tilespmem:v19+s2+$0x0], $0xffff  }
0x45: {  	v30 =	vor.u32 v0, v30;
	v22 =	vbroadcast v14, $0x0;
	v28 =	vbroadcast v9, $0x0;
	v23 =	vld.idx.msk [tilespmem:v23+s2+$0x0], $0xffff  }
0x46: {  	s21 =	simm.s32 $0x3E0;
	v33 =	vor.u32 v3, v33;
	v20 =	vor.u32 v0, v20;
	v27 =	vor.u32 v3, v27;
	v26 =	vld.idx.msk [tilespmem:v26+s2+$0x0], $0xffff  }
0x47: {  	s19 =	simm.s32 $0x300;
	v36 =	vor.u32 v0, v18;
	v18 =	vmov s21;
	v22 =	vor.u32 v3, v22;
	v29 =	vld.idx.msk [tilespmem:v29+s2+$0x0], $0xffff  }
0x48: {  	s22 =	simm.s32 $0x2A0;
	v34 =	vor.u32 v4, v28;
	v28 =	vmov s19;
	v18 =	vshrl.u32 v18, $0x7;
	v32 =	vld.idx.msk [tilespmem:v32+s2+$0x0], $0xffff  }
0x49: {  	v37 =	vshrl.u32 v28, $0x7;
	v28 =	vmov s22;
	v18 =	vshll.u32 v18, v1;
	s22 =	simm.s32 $0x200;
	v47 =	vld.idx.msk [tilespmem:v21+s2+$0x0], $0xffff  }
0x4a: {  	v31 =	vor.u32 v2, v31;
	s19 =	simm.s32 $0x19100;
	v43 =	vbroadcast v18, $0x0;
	v44 =	vmov s22;
	v52 =	vld.idx.msk [tilespmem:v24+s2+$0x0], $0xffff  }
0x4b: {  	v21 =	vshrl.u32 v35, $0x7;
	v28 =	vshrl.u32 v28, $0x7;
	v24 =	vshrl.u32 v41, $0x7;
	v55 =	vld.idx.msk [tilespmem:v25+s2+$0x0], $0xffff;
	[tilespmem:s19+$0x70] =	vst v19  }
0x4c: {  	v61 =	vld.idx.msk [tilespmem:v30+s2+$0x0], $0xffff;
	v30 =	vshll.u32 v37, v1;
	v44 =	vshrl.u32 v44, $0x7;
	v28 =	vshll.u32 v28, v1;
	[tilespmem:s19+$0xFFFFFF00] =	vst v23  }
0x4d: {  	v45 =	vbroadcast v30, $0x0;
	v25 =	vshll.u32 v44, v1;
	v57 =	vld.idx.msk [tilespmem:v27+s2+$0x0], $0xffff;
	v27 =	vshll.u32 v24, v1;
	[tilespmem:s19+$0xFFFFFF10] =	vst v26  }
0x4e: {  	s30 =	simm.s32 $0x3A0;
	v62 =	vbroadcast v28, $0x0;
	v50 =	vld.idx.msk [tilespmem:v22+s2+$0x0], $0xffff;
	v22 =	vshrl.u32 v38, $0x7;
	v59 =	vbroadcast v25, $0x0;
	[tilespmem:s19+$0xFFFFFF20] =	vst v29  }
0x4f: {  	v19 =	vld.idx.msk [tilespmem:v20+s2+$0x0], $0xffff;
	v20 =	vmov s30;
	v23 =	vor.u32 v4, v43;
	v26 =	vshrl.u32 v39, $0x7;
	[tilespmem:s19+$0xFFFFFF30] =	vst v32  }
0x50: {  	v29 =	vshll.u32 v22, v1;
	[tilespmem:s19+$0xFFFFFF50] =	vst v47;
	v22 =	vshll.u32 v53, v1;
	v63 =	vor.u32 v0, v59  }
0x51: {  	[tilespmem:s19+$0xFFFFFF70] =	vst v52;
	v32 =	vld.idx.msk [tilespmem:v31+s2+$0x0], $0xffff;
	v31 =	vor.u32 v2, v59;
	v52 =	vbroadcast v27, $0x0;
	v47 =	vor.u32 v3, v59  }
0x52: {  	v43 =	vor.u32 v2, v62;
	v56 =	vshrl.u32 v20, $0x7;
	v20 =	vshll.u32 v21, v1  }
0x53: {  	v35 =	vld.idx.msk [tilespmem:v33+s2+$0x0], $0xffff;
	v21 =	vshll.u32 v26, v1;
	v26 =	vshll.u32 v51, v1;
	v49 =	vbroadcast v29, $0x0  }
0x54: {  	v34 =	vld.idx.msk [tilespmem:v34+s2+$0x0], $0xffff;
	[tilespmem:s19+$0x10] =	vst v55;
	v53 =	vbroadcast v22, $0x0;
	v24 =	vshll.u32 v56, v1;
	v60 =	vbroadcast v20, $0x0  }
0x55: {  	v51 =	vbroadcast v26, $0x0;
	v37 =	vor.u32 v3, v52;
	[tilespmem:s19+$0xFFFFFF60] =	vst v50;
	v50 =	vbroadcast v21, $0x0;
	v58 =	vld.idx.msk [tilespmem:v23+s2+$0x0], $0xffff  }
0x56: {  	v33 =	vld.idx.msk [tilespmem:v36+s2+$0x0], $0xffff;
	[tilespmem:s19+$0x40] =	vst v61;
	v55 =	vbroadcast v24, $0x0;
	v40 =	vor.u32 v3, v49;
	v36 =	vor.u32 v4, v53  }
0x57: {  	[tilespmem:s19+$0xFFFFFF40] =	vst v19;
	v19 =	vshrl.u32 v46, $0x7;
	v23 =	vshll.u32 v54, v1;
	v46 =	vor.u32 v4, v59  }
0x58: {  	[tilespmem:s19+$0x20] =	vst v57;
	v44 =	vor.u32 v0, v60;
	v19 =	vshll.u32 v19, v1;
	v54 =	vbroadcast v23, $0x0  }
0x59: {  	s20 =	simm.s32 $0x19300;
	[tilespmem:s19+$0x30] =	vst v34;
	v38 =	vor.u32 v2, v51;
	v42 =	vld.idx.msk [tilespmem:v63+s2+$0x0], $0xffff;
	v39 =	vor.u32 v4, v50;
	v48 =	vbroadcast v19, $0x0  }
0x5a: {  	s18 =	simm.s32 $0x19180;
	s21 =	simm.s32 $0x10;
	s22 =	simm.s32 $0x500;
	v41 =	vld.idx.msk [tilespmem:v31+s2+$0x0], $0xffff;
	v31 =	vor.u32 v2, v55;
	v34 =	vor.u32 v0, v54;
	[tilespmem:s20+$0x70] =	vst v58  }
.LBB2_2:
0x5b: {  	s23 =	sadd.s32 $0xFFFFFF80, s22;
	v49 =	vmov s22;
	s24 =	sadd.s32 $0xE0, s22;
	s21 =	sadd.s32 $0x10, s21;
	v47 =	vld.idx.msk [tilespmem:v47+s2+$0x0], $0xffff;
	v45 =	vor.u32 v0, v45;
	v48 =	vor.u32 v3, v48;
	[tilespmem:s19+$0x50] =	vst v32  }
0x5c: {  	s25 =	sadd.s32 $0xFFFFFFC0, s22;
	v32 =	vmov s23;
	s23 =	sadd.s32 $0xFFFFFFA0, s22;
	v49 =	vshrl.u32 v49, $0x7;
	v50 =	vmov s24;
	p1 =	slt.u32 s21, $0x310;
	v46 =	vld.idx.msk [tilespmem:v46+s2+$0x0], $0xffff;
	[tilespmem:s19+$0x60] =	vst v35  }
0x5d: {  	v51 =	vmov s25;
	s24 =	sadd.s32 $0x20, s22;
	s25 =	sadd.s32 $0x40, s22;
	v35 =	vmov s23;
	s23 =	sadd.s32 $0xFFFFFFE0, s22;
	v50 =	vshrl.u32 v50, $0x7;
	v44 =	vld.idx.msk [tilespmem:v44+s2+$0x0], $0xffff;
	[tilespmem:s19+$0x0] =	vst v33  }
0x5e: {  	v52 =	vmov s24;
	s19 =	sadd.s32 $0x60, s22;
	s24 =	sadd.s32 $0xA0, s22;
	v33 =	vmov s23;
	s23 =	sadd.s32 $0x80, s22;
	v50 =	vshll.u32 v50, v1;
	v43 =	vld.idx.msk [tilespmem:v43+s2+$0x0], $0xffff  }
0x5f: {  	s26 =	sadd.s32 $0xFFFFFF00, s22;
	v53 =	vmov s25;
	s25 =	sadd.s32 $0xC0, s22;
	v54 =	vmov s19;
	s19 =	smov.u32 s20;
	v50 =	vbroadcast v50, $0x0;
	[tilespmem:s20+$0xFFFFFF00] =	vst v42;
	v40 =	vld.idx.msk [tilespmem:v40+s2+$0x0], $0xffff  }
0x60: {  	v56 =	vmov s24;
	v42 =	vmov s26;
	v55 =	vmov s23;
	v39 =	vld.idx.msk [tilespmem:v39+s2+$0x0], $0xffff  }
0x61: {  	v57 =	vmov s25;
	v42 =	vshrl.u32 v42, $0x7;
	v50 =	vor.u32 v4, v50;
	[tilespmem:s20+$0xFFFFFF10] =	vst v41;
	v38 =	vld.idx.msk [tilespmem:v38+s2+$0x0], $0xffff  }
0x62: {  	v32 =	vshrl.u32 v32, $0x7;
	v35 =	vshrl.u32 v35, $0x7;
	v41 =	vshrl.u32 v51, $0x7;
	[tilespmem:s20+$0xFFFFFF20] =	vst v47;
	v37 =	vld.idx.msk [tilespmem:v37+s2+$0x0], $0xffff  }
0x63: {  	v33 =	vshrl.u32 v33, $0x7;
	v51 =	vshrl.u32 v53, $0x7;
	v47 =	vshrl.u32 v52, $0x7;
	[tilespmem:s20+$0xFFFFFF30] =	vst v46;
	v36 =	vld.idx.msk [tilespmem:v36+s2+$0x0], $0xffff  }
0x64: {  	v53 =	vshrl.u32 v56, $0x7;
	v52 =	vshrl.u32 v55, $0x7;
	v46 =	vshrl.u32 v54, $0x7;
	[tilespmem:s20+$0xFFFFFF40] =	vst v44;
	v34 =	vld.idx.msk [tilespmem:v34+s2+$0x0], $0xffff  }
0x65: {  	v42 =	vshll.u32 v42, v1;
	v54 =	vshrl.u32 v57, $0x7;
	v44 =	vshll.u32 v32, v1;
	[tilespmem:s20+$0xFFFFFF50] =	vst v43;
	v32 =	vld.idx.msk [tilespmem:v31+s2+$0x0], $0xffff  }
0x66: {  	v41 =	vshll.u32 v41, v1;
	v31 =	vshll.u32 v35, v1;
	v43 =	vshll.u32 v33, v1;
	v50 =	vld.idx.msk [tilespmem:v50+s2+$0x0], $0xffff  }
0x67: {  	v51 =	vshll.u32 v51, v1;
	v47 =	vshll.u32 v47, v1;
	v46 =	vshll.u32 v46, v1;
	v35 =	vld.idx.msk [tilespmem:v48+s2+$0x0], $0xffff  }
0x68: {  	v48 =	vshll.u32 v52, v1;
	v52 =	vshll.u32 v53, v1;
	v53 =	vshll.u32 v54, v1;
	v33 =	vld.idx.msk [tilespmem:v45+s2+$0x0], $0xffff  }
0x69: {  	v42 =	vbroadcast v42, $0x0;
	v44 =	vbroadcast v44, $0x0;
	v45 =	vshll.u32 v49, v1;
	[tilespmem:s20+$0xFFFFFF60] =	vst v40  }
0x6a: {  	v31 =	vbroadcast v31, $0x0;
	v40 =	vbroadcast v41, $0x0;
	[tilespmem:s20+$0xFFFFFF70] =	vst v39  }
0x6b: {  	v49 =	vbroadcast v47, $0x0;
	v41 =	vbroadcast v43, $0x0;
	v39 =	vor.u32 v0, v42;
	s20 =	sadd.s32 $0x200, s20;
	[tilespmem:s19+$0x10] =	vst v38  }
0x6c: {  	v51 =	vbroadcast v51, $0x0;
	v55 =	vbroadcast v46, $0x0;
	v54 =	vor.u32 v2, v42;
	[tilespmem:s20+$0x70] =	vst v50  }
.Ltmp2:
0x6d: {  	v47 =	vor.u32 v3, v42;
	v52 =	vbroadcast v52, $0x0;
	v50 =	vbroadcast v48, $0x0;
	[tilespmem:s19+$0x20] =	vst v37;
	(pc) =	sbr.rel @p1 .LBB2_2-.Ltmp2, $4  }
0x6e: {  	v46 =	vor.u32 v4, v42;
	v45 =	vbroadcast v45, $0x0;
	v48 =	vbroadcast v53, $0x0;
	[tilespmem:s19+$0x30] =	vst v36  }
0x6f: {  	v44 =	vor.u32 v0, v44;
	v43 =	vor.u32 v2, v31;
	v40 =	vor.u32 v3, v40;
	[tilespmem:s19+$0x40] =	vst v34  }
0x70: {  	v38 =	vor.u32 v2, v49;
	v37 =	vor.u32 v3, v51;
	v42 =	vld.idx.msk [tilespmem:v39+s2+$0x0], $0xffff;
	v39 =	vor.u32 v4, v41  }
0x71: {  	s22 =	sadd.s32 $0x200, s22;
	v31 =	vor.u32 v2, v52;
	v36 =	vor.u32 v4, v55;
	v34 =	vor.u32 v0, v50;
	v41 =	vld.idx.msk [tilespmem:v54+s2+$0x0], $0xffff  }
0x72: {  	_ =	sdelay $0x3  }
0x73: {  	v47 =	vld.idx.msk [tilespmem:v47+s2+$0x0], $0xffff;
	[tilespmem:s19+$0x50] =	vst v32  }
0x74: {  	v63 =	vld.idx.msk [tilespmem:v46+s2+$0x0], $0xffff;
	[tilespmem:s19+$0x60] =	vst v35  }
0x75: {  	v44 =	vld.idx.msk [tilespmem:v44+s2+$0x0], $0xffff;
	[tilespmem:s19+$0x0] =	vst v33  }
0x76: {  	v46 =	vld.idx.msk [tilespmem:v43+s2+$0x0], $0xffff;
	[tilespmem:s20+$0xFFFFFF00] =	vst v42  }
0x77: {  	v40 =	vld.idx.msk [tilespmem:v40+s2+$0x0], $0xffff;
	[tilespmem:s20+$0xFFFFFF10] =	vst v41  }
0x78: {  	v39 =	vld.idx.msk [tilespmem:v39+s2+$0x0], $0xffff;
	[tilespmem:s20+$0xFFFFFF20] =	vst v47  }
0x79: {  	v49 =	vor.u32 v3, v48;
	v38 =	vld.idx.msk [tilespmem:v38+s2+$0x0], $0xffff;
	[tilespmem:s20+$0xFFFFFF30] =	vst v63  }
0x7a: {  	v50 =	vor.u32 v0, v45;
	v37 =	vld.idx.msk [tilespmem:v37+s2+$0x0], $0xffff;
	[tilespmem:s20+$0xFFFFFF40] =	vst v44  }
0x7b: {  	v51 =	vld.idx.msk [tilespmem:v36+s2+$0x0], $0xffff;
	[tilespmem:s20+$0xFFFFFF50] =	vst v46  }
0x7c: {  	v52 =	vld.idx.msk [tilespmem:v34+s2+$0x0], $0xffff;
	[tilespmem:s20+$0xFFFFFF60] =	vst v40  }
0x7d: {  	v31 =	vld.idx.msk [tilespmem:v31+s2+$0x0], $0xffff;
	v11 =	vadd.s32 $0x80, v11;
	[tilespmem:s20+$0xFFFFFF70] =	vst v39  }
0x7e: {  	v17 =	vadd.s32 $0x80, v17;
	v11 =	vbroadcast v11, $0x0;
	v53 =	vld.idx.msk [tilespmem:v49+s2+$0x0], $0xffff;
	[tilespmem:s20+$0x10] =	vst v38  }
0x7f: {  	v17 =	vbroadcast v17, $0x0;
	v32 =	vld.idx.msk [tilespmem:v50+s2+$0x0], $0xffff;
	[tilespmem:s20+$0x20] =	vst v37  }
0x80: {  	v11 =	vor.u32 v4, v11;
	[tilespmem:s20+$0x30] =	vst v51  }
0x81: {  	v54 =	vor.u32 v0, v17;
	[tilespmem:s20+$0x40] =	vst v52  }
0x82: {  	v15 =	vadd.s32 $0x80, v15;
	v55 =	vor.u32 v2, v17;
	[tilespmem:s20+$0x50] =	vst v31  }
0x83: {  	v14 =	vadd.s32 $0x80, v14;
	v15 =	vbroadcast v15, $0x0;
	v56 =	vor.u32 v3, v17;
	[tilespmem:s20+$0x60] =	vst v53  }
0x84: {  	v13 =	vadd.s32 $0x80, v13;
	v14 =	vbroadcast v14, $0x0;
	v17 =	vor.u32 v4, v17;
	[tilespmem:s20+$0x0] =	vst v32  }
0x85: {  	v16 =	vadd.s32 $0x80, v16;
	v13 =	vbroadcast v13, $0x0;
	v15 =	vor.u32 v2, v15;
	v11 =	vld.idx.msk [tilespmem:v11+s2+$0x0], $0xffff  }
0x86: {  	v16 =	vbroadcast v16, $0x0;
	v14 =	vor.u32 v3, v14;
	v32 =	vld.idx.msk [tilespmem:v54+s2+$0x0], $0xffff  }
0x87: {  	v12 =	vadd.s32 $0x80, v12;
	v13 =	vor.u32 v4, v13;
	v31 =	vld.idx.msk [tilespmem:v55+s2+$0x0], $0xffff  }
0x88: {  	v10 =	vadd.s32 $0x80, v10;
	v12 =	vbroadcast v12, $0x0;
	v16 =	vor.u32 v0, v16;
	v57 =	vld.idx.msk [tilespmem:v56+s2+$0x0], $0xffff  }
0x89: {  	v9 =	vadd.s32 $0x80, v9;
	v10 =	vbroadcast v10, $0x0;
	v17 =	vld.idx.msk [tilespmem:v17+s2+$0x0], $0xffff  }
0x8a: {  	v8 =	vadd.s32 $0x80, v8;
	v9 =	vbroadcast v9, $0x0;
	v12 =	vor.u32 v2, v12;
	v15 =	vld.idx.msk [tilespmem:v15+s2+$0x0], $0xffff  }
0x8b: {  	v7 =	vadd.s32 $0x80, v7;
	v8 =	vbroadcast v8, $0x0;
	v10 =	vor.u32 v3, v10;
	v14 =	vld.idx.msk [tilespmem:v14+s2+$0x0], $0xffff;
	[tilespmem:s18+$0x70] =	vst v11  }
0x8c: {  	v6 =	vadd.s32 $0x80, v6;
	v7 =	vbroadcast v7, $0x0;
	v9 =	vor.u32 v4, v9;
	v13 =	vld.idx.msk [tilespmem:v13+s2+$0x0], $0xffff;
	[tilespmem:s18+$0xFFFFFF00] =	vst v32  }
0x8d: {  	v6 =	vbroadcast v6, $0x0;
	v8 =	vor.u32 v0, v8;
	v11 =	vld.idx.msk [tilespmem:v16+s2+$0x0], $0xffff;
	v16 =	vadd.s32 $0x80, v18;
	[tilespmem:s18+$0xFFFFFF10] =	vst v31  }
0x8e: {  	v5 =	vadd.s32 $0x80, v5;
	v7 =	vor.u32 v2, v7;
	[tilespmem:s18+$0xFFFFFF20] =	vst v57;
	v16 =	vbroadcast v16, $0x0  }
0x8f: {  	v5 =	vbroadcast v5, $0x0;
	v6 =	vor.u32 v3, v6;
	v12 =	vld.idx.msk [tilespmem:v12+s2+$0x0], $0xffff;
	[tilespmem:s18+$0xFFFFFF30] =	vst v17  }
0x90: {  	v58 =	vadd.s32 $0x80, v19;
	v10 =	vld.idx.msk [tilespmem:v10+s2+$0x0], $0xffff;
	[tilespmem:s18+$0xFFFFFF50] =	vst v15;
	v16 =	vor.u32 v4, v16  }
0x91: {  	v59 =	vor.u32 v0, v5;
	v9 =	vld.idx.msk [tilespmem:v9+s2+$0x0], $0xffff;
	v15 =	vadd.s32 $0x80, v20;
	v17 =	vadd.s32 $0x80, v28;
	[tilespmem:s18+$0xFFFFFF60] =	vst v14  }
0x92: {  	v8 =	vld.idx.msk [tilespmem:v8+s2+$0x0], $0xffff;
	v18 =	vadd.s32 $0x80, v29;
	v14 =	vadd.s32 $0x80, v21;
	v20 =	vadd.s32 $0x80, v26;
	[tilespmem:s18+$0xFFFFFF70] =	vst v13  }
0x93: {  	v7 =	vld.idx.msk [tilespmem:v7+s2+$0x0], $0xffff;
	v21 =	vadd.s32 $0x80, v27;
	v13 =	vadd.s32 $0x80, v22;
	[tilespmem:s18+$0xFFFFFF40] =	vst v11;
	v11 =	vadd.s32 $0x80, v25  }
0x94: {  	v6 =	vld.idx.msk [tilespmem:v6+s2+$0x0], $0xffff;
	v22 =	vadd.s32 $0x80, v23;
	v23 =	vadd.s32 $0x80, v24;
	[tilespmem:s18+$0x10] =	vst v12;
	v11 =	vbroadcast v11, $0x0  }
0x95: {  	v12 =	vadd.s32 $0x80, v30;
	[tilespmem:s18+$0x20] =	vst v10;
	v10 =	vbroadcast v15, $0x0;
	v15 =	vbroadcast v17, $0x0;
	v16 =	vld.idx.msk [tilespmem:v16+s2+$0x0], $0xffff  }
0x96: {  	[tilespmem:s18+$0x30] =	vst v9;
	v60 =	vbroadcast v18, $0x0;
	v61 =	vbroadcast v14, $0x0;
	v9 =	vor.u32 v0, v11  }
0x97: {  	[tilespmem:s18+$0x40] =	vst v8;
	v62 =	vbroadcast v20, $0x0;
	v21 =	vbroadcast v21, $0x0;
	v8 =	vor.u32 v2, v11  }
0x98: {  	[tilespmem:s18+$0x50] =	vst v7;
	v63 =	vbroadcast v13, $0x0;
	v22 =	vbroadcast v22, $0x0;
	v18 =	vor.u32 v3, v11  }
0x99: {  	s19 =	simm.s32 $0x19380;
	[tilespmem:s18+$0x60] =	vst v6;
	v19 =	vbroadcast v23, $0x0;
	v20 =	vbroadcast v58, $0x0;
	v17 =	vor.u32 v4, v11  }
0x9a: {  	v5 =	vbroadcast v12, $0x0;
	v14 =	vor.u32 v2, v15;
	v15 =	vld.idx.msk [tilespmem:v59+s2+$0x0], $0xffff;
	[tilespmem:s19+$0x70] =	vst v16;
	v16 =	vor.u32 v0, v10  }
0x9b: {  	v7 =	vor.u32 v3, v21;
	v6 =	vor.u32 v0, v22;
	v11 =	vor.u32 v3, v60;
	v13 =	vld.idx.msk [tilespmem:v9+s2+$0x0], $0xffff  }
0x9c: {  	s21 =	simm.s32 $0x500;
	s20 =	simm.s32 $0x10;
	v10 =	vor.u32 v4, v61;
	v9 =	vor.u32 v2, v62;
	v12 =	vld.idx.msk [tilespmem:v8+s2+$0x0], $0xffff;
	v8 =	vor.u32 v4, v63  }
.LBB2_4:
0x9d: {  	s22 =	sadd.s32 $0xFFFFFF80, s21;
	v21 =	vmov s21;
	s23 =	sadd.s32 $0xE0, s21;
	s20 =	sadd.s32 $0x10, s20;
	v18 =	vld.idx.msk [tilespmem:v18+s2+$0x0], $0xffff;
	v19 =	vor.u32 v2, v19;
	v20 =	vor.u32 v3, v20  }
0x9e: {  	s24 =	sadd.s32 $0xFFFFFFC0, s21;
	v22 =	vmov s22;
	s22 =	sadd.s32 $0xFFFFFFA0, s21;
	v21 =	vshrl.u32 v21, $0x7;
	v23 =	vmov s23;
	p1 =	slt.u32 s20, $0x310;
	v17 =	vld.idx.msk [tilespmem:v17+s2+$0x0], $0xffff  }
0x9f: {  	v25 =	vmov s24;
	s23 =	sadd.s32 $0x20, s21;
	s24 =	sadd.s32 $0x40, s21;
	v24 =	vmov s22;
	s22 =	sadd.s32 $0xFFFFFFE0, s21;
	v23 =	vshrl.u32 v23, $0x7;
	v16 =	vld.idx.msk [tilespmem:v16+s2+$0x0], $0xffff  }
0xa0: {  	s25 =	sadd.s32 $0xA0, s21;
	v27 =	vmov s23;
	s23 =	sadd.s32 $0x80, s21;
	v26 =	vmov s22;
	s22 =	sadd.s32 $0x60, s21;
	v23 =	vshll.u32 v23, v1;
	v14 =	vld.idx.msk [tilespmem:v14+s2+$0x0], $0xffff;
	[tilespmem:s18+$0x0] =	vst v15  }
0xa1: {  	s26 =	sadd.s32 $0xFFFFFF00, s21;
	v15 =	vmov s24;
	s18 =	smov.u32 s19;
	v28 =	vmov s22;
	s22 =	sadd.s32 $0xC0, s21;
	v23 =	vadd.s32 $0x80, v23;
	[tilespmem:s19+$0xFFFFFF00] =	vst v13;
	v11 =	vld.idx.msk [tilespmem:v11+s2+$0x0], $0xffff  }
0xa2: {  	v29 =	vmov s23;
	v13 =	vmov s26;
	v23 =	vbroadcast v23, $0x0;
	[tilespmem:s19+$0xFFFFFF10] =	vst v12;
	v10 =	vld.idx.msk [tilespmem:v10+s2+$0x0], $0xffff  }
0xa3: {  	v12 =	vshrl.u32 v13, $0x7;
	v13 =	vmov s25;
	v30 =	vmov s22;
	[tilespmem:s19+$0xFFFFFF20] =	vst v18;
	v9 =	vld.idx.msk [tilespmem:v9+s2+$0x0], $0xffff  }
0xa4: {  	v18 =	vshrl.u32 v22, $0x7;
	v22 =	vshrl.u32 v24, $0x7;
	v23 =	vor.u32 v4, v23;
	[tilespmem:s19+$0xFFFFFF30] =	vst v17;
	v7 =	vld.idx.msk [tilespmem:v7+s2+$0x0], $0xffff  }
0xa5: {  	v24 =	vshrl.u32 v26, $0x7;
	v17 =	vshrl.u32 v25, $0x7;
	v25 =	vshrl.u32 v27, $0x7;
	[tilespmem:s19+$0xFFFFFF40] =	vst v16;
	v8 =	vld.idx.msk [tilespmem:v8+s2+$0x0], $0xffff  }
0xa6: {  	v15 =	vshrl.u32 v15, $0x7;
	v26 =	vshrl.u32 v29, $0x7;
	v16 =	vshrl.u32 v28, $0x7;
	[tilespmem:s19+$0xFFFFFF50] =	vst v14;
	v6 =	vld.idx.msk [tilespmem:v6+s2+$0x0], $0xffff  }
0xa7: {  	v12 =	vshll.u32 v12, v1;
	v13 =	vshrl.u32 v13, $0x7;
	v14 =	vshrl.u32 v30, $0x7;
	[tilespmem:s19+$0xFFFFFF60] =	vst v11;
	v11 =	vld.idx.msk [tilespmem:v19+s2+$0x0], $0xffff  }
0xa8: {  	v18 =	vshll.u32 v18, v1;
	v17 =	vshll.u32 v17, v1;
	v19 =	vshll.u32 v22, v1;
	v20 =	vld.idx.msk [tilespmem:v20+s2+$0x0], $0xffff  }
0xa9: {  	v15 =	vshll.u32 v15, v1;
	v22 =	vshll.u32 v24, v1;
	v24 =	vshll.u32 v25, v1;
	v23 =	vld.idx.msk [tilespmem:v23+s2+$0x0], $0xffff  }
0xaa: {  	v13 =	vshll.u32 v13, v1;
	v16 =	vshll.u32 v16, v1;
	v25 =	vshll.u32 v26, v1;
	[tilespmem:s19+$0xFFFFFF70] =	vst v10  }
0xab: {  	v14 =	vshll.u32 v14, v1;
	v10 =	vadd.s32 $0x80, v12;
	v12 =	vshll.u32 v21, v1;
	[tilespmem:s19+$0x10] =	vst v9  }
0xac: {  	v17 =	vadd.s32 $0x80, v17;
	v9 =	vadd.s32 $0x80, v18;
	v18 =	vadd.s32 $0x80, v19;
	[tilespmem:s19+$0x20] =	vst v7  }
0xad: {  	v15 =	vadd.s32 $0x80, v15;
	v19 =	vadd.s32 $0x80, v24;
	v7 =	vadd.s32 $0x80, v22;
	[tilespmem:s19+$0x30] =	vst v8  }
0xae: {  	v13 =	vadd.s32 $0x80, v13;
	v8 =	vadd.s32 $0x80, v16;
	v16 =	vadd.s32 $0x80, v25;
	s19 =	sadd.s32 $0x200, s19;
	[tilespmem:s18+$0x40] =	vst v6  }
0xaf: {  	v6 =	vbroadcast v10, $0x0;
	v10 =	vadd.s32 $0x80, v12;
	v12 =	vadd.s32 $0x80, v14;
	[tilespmem:s19+$0x70] =	vst v23  }
0xb0: {  	v21 =	vor.u32 v0, v5;
	v9 =	vbroadcast v9, $0x0;
	v14 =	vbroadcast v18, $0x0;
	[tilespmem:s18+$0x50] =	vst v11  }
0xb1: {  	v22 =	vbroadcast v17, $0x0;
	v7 =	vbroadcast v7, $0x0;
	v11 =	vor.u32 v0, v6;
	[tilespmem:s18+$0x60] =	vst v20  }
0xb2: {  	v24 =	vbroadcast v19, $0x0;
	v25 =	vbroadcast v15, $0x0;
	v23 =	vor.u32 v2, v6  }
.Ltmp3:
0xb3: {  	v8 =	vbroadcast v8, $0x0;
	v26 =	vbroadcast v16, $0x0;
	v18 =	vor.u32 v3, v6;
	(pc) =	sbr.rel @p1 .LBB2_4-.Ltmp3, $4  }
0xb4: {  	v19 =	vbroadcast v13, $0x0;
	v17 =	vor.u32 v4, v6;
	v20 =	vbroadcast v12, $0x0  }
0xb5: {  	v16 =	vor.u32 v0, v9;
	v5 =	vbroadcast v10, $0x0;
	v14 =	vor.u32 v2, v14;
	v15 =	vld.idx.msk [tilespmem:v21+s2+$0x0], $0xffff  }
0xb6: {  	v9 =	vor.u32 v2, v24;
	v10 =	vor.u32 v4, v7;
	v13 =	vld.idx.msk [tilespmem:v11+s2+$0x0], $0xffff;
	v11 =	vor.u32 v3, v22  }
0xb7: {  	s21 =	sadd.s32 $0x200, s21;
	v7 =	vor.u32 v3, v25;
	v8 =	vor.u32 v4, v8;
	v6 =	vor.u32 v0, v26;
	v12 =	vld.idx.msk [tilespmem:v23+s2+$0x0], $0xffff  }
0xb8: {  	_ =	sdelay $0x3  }
0xb9: {  	v18 =	vld.idx.msk [tilespmem:v18+s2+$0x0], $0xffff  }
0xba: {  	v17 =	vld.idx.msk [tilespmem:v17+s2+$0x0], $0xffff  }
0xbb: {  	v16 =	vld.idx.msk [tilespmem:v16+s2+$0x0], $0xffff;
	[tilespmem:s18+$0x0] =	vst v15  }
0xbc: {  	v14 =	vld.idx.msk [tilespmem:v14+s2+$0x0], $0xffff;
	[tilespmem:s19+$0xFFFFFF00] =	vst v13  }
0xbd: {  	v11 =	vld.idx.msk [tilespmem:v11+s2+$0x0], $0xffff;
	s22 =	simm.s32 $0xE0;
	[tilespmem:s19+$0xFFFFFF10] =	vst v12  }
0xbe: {  	v5 =	vor.u32 v0, v5;
	v10 =	vld.idx.msk [tilespmem:v10+s2+$0x0], $0xffff;
	s26 =	simm.s32 $0x0;
	v21 =	vmov s22;
	[tilespmem:s19+$0xFFFFFF20] =	vst v18  }
0xbf: {  	s31 =	simm.s32 $0xA0;
	v9 =	vld.idx.msk [tilespmem:v9+s2+$0x0], $0xffff;
	s22 =	simm.s32 $0x1A0;
	v24 =	vmov s26;
	v15 =	vor.u32 v2, v19;
	v19 =	vor.u32 v3, v20;
	[tilespmem:s19+$0xFFFFFF30] =	vst v17  }
0xc0: {  	s20 =	simm.s32 $0x80;
	v22 =	vld.idx.msk [tilespmem:v7+s2+$0x0], $0xffff;
	s26 =	simm.s32 $0x360;
	v20 =	vmov s31;
	v25 =	vmov s22;
	v24 =	vshrl.u32 v24, $0x7;
	[tilespmem:s19+$0xFFFFFF40] =	vst v16  }
0xc1: {  	s29 =	simm.s32 $0x100;
	v8 =	vld.idx.msk [tilespmem:v8+s2+$0x0], $0xffff;
	v21 =	vshrl.u32 v21, $0x7;
	s22 =	simm.s32 $0x2C0;
	v42 =	vmov s26;
	v13 =	vmov s20;
	[tilespmem:s19+$0xFFFFFF50] =	vst v14  }
0xc2: {  	s30 =	simm.s32 $0x1E0;
	s21 =	simm.s32 $0xC0;
	v6 =	vld.idx.msk [tilespmem:v6+s2+$0x0], $0xffff;
	v25 =	vshrl.u32 v25, $0x7;
	v38 =	vmov s22;
	v12 =	vmov s29;
	[tilespmem:s19+$0xFFFFFF60] =	vst v11  }
0xc3: {  	s23 =	simm.s32 $0x120;
	s25 =	simm.s32 $0x160;
	v18 =	vshrl.u32 v12, $0x7;
	v12 =	vmov s30;
	v17 =	vmov s21;
	[tilespmem:s19+$0xFFFFFF70] =	vst v10;
	v5 =	vld.idx.msk [tilespmem:v5+s2+$0x0], $0xffff  }
0xc4: {  	s28 =	simm.s32 $0x180;
	v53 =	vshrl.u32 v42, $0x7;
	s29 =	simm.s32 $0x1C0;
	v16 =	vmov s23;
	v14 =	vmov s25;
	[tilespmem:s19+$0x10] =	vst v9;
	v26 =	vld.idx.msk [tilespmem:v15+s2+$0x0], $0xffff  }
0xc5: {  	v13 =	vshrl.u32 v13, $0x7;
	v11 =	vmov s28;
	v10 =	vmov s29;
	[tilespmem:s19+$0x20] =	vst v22;
	v19 =	vld.idx.msk [tilespmem:v19+s2+$0x0], $0xffff  }
0xc6: {  	v9 =	vshrl.u32 v20, $0x7;
	[tilespmem:s19+$0x30] =	vst v8;
	v12 =	vshrl.u32 v12, $0x7;
	v20 =	vshrl.u32 v17, $0x7  }
0xc7: {  	[tilespmem:s19+$0x40] =	vst v6;
	v22 =	vshrl.u32 v16, $0x7;
	v28 =	vshrl.u32 v14, $0x7;
	v8 =	vshrl.u32 v11, $0x7  }
0xc8: {  	s21 =	simm.s32 $0x2A0;
	s23 =	simm.s32 $0x2E0;
	v17 =	vshll.u32 v24, v1;
	v16 =	vshll.u32 v13, v1;
	v6 =	vshrl.u32 v10, $0x7;
	[tilespmem:s19+$0x0] =	vst v5  }
0xc9: {  	s25 =	simm.s32 $0x340;
	s28 =	simm.s32 $0x380;
	s29 =	simm.s32 $0x200;
	v13 =	vshll.u32 v21, v1;
	v37 =	vmov s21;
	v39 =	vmov s23;
	[tilespmem:s19+$0x50] =	vst v26  }
0xca: {  	s24 =	simm.s32 $0x140;
	v41 =	vmov s25;
	v44 =	vmov s29;
	v45 =	vmov s28;
	[tilespmem:s19+$0x60] =	vst v19  }
0xcb: {  	v7 =	vshll.u32 v12, v1;
	v12 =	vmov s24;
	v15 =	vshll.u32 v9, v1;
	[hbm4b:s5+s2] =	stream.linear.scatter [tilespmem:s14], [sflag:$0x3], $0x6400, $0x38;
	[tilespmem:$0x1F400] =	vst v63  }
0xcc: {  	v14 =	vshll.u32 v20, v1;
	v10 =	vshll.u32 v28, v1;
	v9 =	vshll.u32 v8, v1  }
0xcd: {  	v8 =	vshll.u32 v25, v1;
	v20 =	vbroadcast v16, $0x0;
	v23 =	vbroadcast v7, $0x0;
	[tilespmem:s2], [sflag:$0x1] =	stream.linear.gather [hbm4b:s6+s2], $0xC800, $0x38;
	[tilespmem:$0x1F400] =	vst v63  }
0xce: {  	v6 =	vshll.u32 v6, v1;
	v24 =	vbroadcast v13, $0x0;
	v19 =	vbroadcast v17, $0x0;
	_ =	swait.ge [sflag:s15], $0xC800  }
0xcf: {  	v44 =	vshrl.u32 v44, $0x7;
	v37 =	vshrl.u32 v37, $0x7;
	v23 =	vor.u32 v4, v23;
	[sflag:s15] =	ssyncset.done $0x0  }
0xd0: {  	v27 =	vshrl.u32 v12, $0x7;
	v12 =	vshll.u32 v22, v1;
	v22 =	vor.u32 v0, v19;
	[sflag:s15] =	ssyncadd.s32 $0xFFFF3800  }
0xd1: {  	v54 =	vshrl.u32 v45, $0x7;
	v21 =	vbroadcast v14, $0x0;
	v26 =	vor.u32 v2, v19;
	_ =	swait.ge [sflag:s16], $0x6400  }
0xd2: {  	v5 =	vshll.u32 v18, v1;
	v18 =	vbroadcast v15, $0x0;
	v29 =	vor.u32 v3, v19;
	[sflag:s16] =	ssyncset.done $0x0  }
0xd3: {  	v28 =	vbroadcast v10, $0x0;
	v30 =	vbroadcast v9, $0x0;
	v19 =	vor.u32 v4, v19;
	[sflag:s16] =	ssyncadd.s32 $0xFFFF9C00  }
0xd4: {  	v31 =	vbroadcast v8, $0x0;
	v33 =	vbroadcast v6, $0x0;
	v34 =	vor.u32 v2, v18;
	v23 =	vld.idx.msk [tilespmem:v23+s12+$0x0], $0xffff  }
0xd5: {  	s24 =	simm.s32 $0x320;
	v11 =	vshll.u32 v27, v1;
	v25 =	vbroadcast v12, $0x0;
	v21 =	vor.u32 v3, v21;
	v22 =	vld.idx.msk [tilespmem:v22+s12+$0x0], $0xffff  }
0xd6: {  	v40 =	vmov s24;
	v24 =	vor.u32 v4, v24;
	v27 =	vbroadcast v11, $0x0;
	v26 =	vld.idx.msk [tilespmem:v26+s12+$0x0], $0xffff  }
0xd7: {  	v20 =	vor.u32 v0, v20;
	v51 =	vshrl.u32 v40, $0x7;
	v25 =	vor.u32 v2, v25;
	v29 =	vld.idx.msk [tilespmem:v29+s12+$0x0], $0xffff  }
0xd8: {  	s30 =	simm.s32 $0x300;
	v35 =	vor.u32 v4, v28;
	v30 =	vor.u32 v0, v30;
	v27 =	vor.u32 v3, v27;
	v19 =	vld.idx.msk [tilespmem:v19+s12+$0x0], $0xffff  }
0xd9: {  	s31 =	simm.s32 $0x280;
	s20 =	simm.s32 $0x3E0;
	v31 =	vor.u32 v2, v31;
	v33 =	vor.u32 v3, v33;
	v18 =	vmov s30;
	v34 =	vld.idx.msk [tilespmem:v34+s12+$0x0], $0xffff  }
0xda: {  	v28 =	vmov s31;
	s31 =	simm.s32 $0x3C0;
	v49 =	vshrl.u32 v18, $0x7;
	v18 =	vmov s20;
	v50 =	vld.idx.msk [tilespmem:v21+s12+$0x0], $0xffff  }
0xdb: {  	v32 =	vbroadcast v5, $0x0;
	v46 =	vmov s31;
	v18 =	vshrl.u32 v18, $0x7;
	v52 =	vld.idx.msk [tilespmem:v24+s12+$0x0], $0xffff  }
0xdc: {  	v28 =	vshrl.u32 v28, $0x7;
	s19 =	simm.s32 $0x19100;
	v56 =	vshrl.u32 v46, $0x7;
	v18 =	vshll.u32 v18, v1;
	v55 =	vld.idx.msk [tilespmem:v25+s12+$0x0], $0xffff  }
0xdd: {  	v36 =	vor.u32 v0, v32;
	v43 =	vbroadcast v18, $0x0;
	v25 =	vshll.u32 v44, v1;
	v44 =	vld.idx.msk [tilespmem:v27+s12+$0x0], $0xffff;
	[tilespmem:s19+$0x70] =	vst v23  }
0xde: {  	v24 =	vshrl.u32 v41, $0x7;
	v61 =	vld.idx.msk [tilespmem:v30+s12+$0x0], $0xffff;
	v30 =	vshll.u32 v49, v1;
	v59 =	vbroadcast v25, $0x0;
	[tilespmem:s19+$0xFFFFFF00] =	vst v22  }
0xdf: {  	v21 =	vshrl.u32 v38, $0x7;
	v32 =	vld.idx.msk [tilespmem:v31+s12+$0x0], $0xffff;
	v27 =	vshll.u32 v24, v1;
	v45 =	vbroadcast v30, $0x0;
	[tilespmem:s19+$0xFFFFFF10] =	vst v26  }
0xe0: {  	s30 =	simm.s32 $0x3A0;
	v63 =	vor.u32 v0, v59;
	v31 =	vor.u32 v2, v59;
	v47 =	vor.u32 v3, v59;
	[tilespmem:s19+$0xFFFFFF20] =	vst v29  }
0xe1: {  	v46 =	vor.u32 v4, v59;
	v23 =	vld.idx.msk [tilespmem:v20+s12+$0x0], $0xffff;
	v20 =	vmov s30;
	v22 =	vor.u32 v4, v43;
	[tilespmem:s19+$0xFFFFFF30] =	vst v19  }
0xe2: {  	v58 =	vld.idx.msk [tilespmem:v35+s12+$0x0], $0xffff;
	v26 =	vshrl.u32 v39, $0x7;
	v29 =	vshll.u32 v21, v1;
	[tilespmem:s19+$0xFFFFFF70] =	vst v52;
	v52 =	vbroadcast v27, $0x0  }
0xe3: {  	[tilespmem:s19+$0xFFFFFF50] =	vst v34;
	v19 =	vshrl.u32 v20, $0x7;
	v20 =	vshll.u32 v28, v1;
	v28 =	vshll.u32 v37, v1  }
0xe4: {  	[tilespmem:s19+$0xFFFFFF60] =	vst v50;
	v21 =	vshll.u32 v26, v1;
	v26 =	vshll.u32 v51, v1;
	v49 =	vbroadcast v29, $0x0  }
0xe5: {  	v35 =	vld.idx.msk [tilespmem:v33+s12+$0x0], $0xffff;
	[tilespmem:s19+$0x10] =	vst v55;
	v24 =	vshll.u32 v19, v1;
	v60 =	vbroadcast v20, $0x0;
	v62 =	vbroadcast v28, $0x0  }
0xe6: {  	[tilespmem:s19+$0x20] =	vst v44;
	v19 =	vshll.u32 v56, v1;
	v50 =	vbroadcast v21, $0x0;
	v51 =	vbroadcast v26, $0x0;
	v57 =	vld.idx.msk [tilespmem:v22+s12+$0x0], $0xffff  }
0xe7: {  	v33 =	vld.idx.msk [tilespmem:v36+s12+$0x0], $0xffff;
	[tilespmem:s19+$0x30] =	vst v58;
	v37 =	vor.u32 v3, v52;
	v55 =	vbroadcast v24, $0x0;
	v48 =	vbroadcast v19, $0x0  }
0xe8: {  	v40 =	vor.u32 v3, v49;
	[tilespmem:s19+$0xFFFFFF40] =	vst v23;
	v22 =	vshll.u32 v53, v1;
	v23 =	vshll.u32 v54, v1  }
0xe9: {  	[tilespmem:s19+$0x40] =	vst v61;
	v42 =	vld.idx.msk [tilespmem:v63+s12+$0x0], $0xffff;
	v44 =	vor.u32 v0, v60;
	v53 =	vbroadcast v22, $0x0;
	v54 =	vbroadcast v23, $0x0  }
0xea: {  	s20 =	simm.s32 $0x19300;
	v41 =	vld.idx.msk [tilespmem:v31+s12+$0x0], $0xffff;
	v43 =	vor.u32 v2, v62;
	v39 =	vor.u32 v4, v50;
	v38 =	vor.u32 v2, v51  }
0xeb: {  	s22 =	simm.s32 $0x500;
	s21 =	simm.s32 $0x10;
	v31 =	vor.u32 v2, v55;
	v36 =	vor.u32 v4, v53;
	v34 =	vor.u32 v0, v54;
	[tilespmem:s20+$0x70] =	vst v57  }
.LBB2_6:
0xec: {  	s18 =	sadd.s32 $0xFFFFFF80, s22;
	v49 =	vmov s22;
	s23 =	sadd.s32 $0xE0, s22;
	s21 =	sadd.s32 $0x10, s21;
	v47 =	vld.idx.msk [tilespmem:v47+s12+$0x0], $0xffff;
	v45 =	vor.u32 v0, v45;
	v48 =	vor.u32 v3, v48;
	[tilespmem:s19+$0x50] =	vst v32  }
0xed: {  	s24 =	sadd.s32 $0xFFFFFFC0, s22;
	v32 =	vmov s18;
	s18 =	sadd.s32 $0xFFFFFFA0, s22;
	v49 =	vshrl.u32 v49, $0x7;
	v50 =	vmov s23;
	p1 =	slt.u32 s21, $0x310;
	v46 =	vld.idx.msk [tilespmem:v46+s12+$0x0], $0xffff;
	[tilespmem:s19+$0x60] =	vst v35  }
0xee: {  	v51 =	vmov s24;
	s23 =	sadd.s32 $0x20, s22;
	s24 =	sadd.s32 $0x40, s22;
	v35 =	vmov s18;
	s18 =	sadd.s32 $0xFFFFFFE0, s22;
	v50 =	vshrl.u32 v50, $0x7;
	v44 =	vld.idx.msk [tilespmem:v44+s12+$0x0], $0xffff;
	[tilespmem:s19+$0x0] =	vst v33  }
0xef: {  	s25 =	sadd.s32 $0xA0, s22;
	v52 =	vmov s23;
	s23 =	sadd.s32 $0x80, s22;
	v33 =	vmov s18;
	s18 =	sadd.s32 $0x60, s22;
	v50 =	vshll.u32 v50, v1;
	v43 =	vld.idx.msk [tilespmem:v43+s12+$0x0], $0xffff  }
0xf0: {  	s26 =	sadd.s32 $0xFFFFFF00, s22;
	v53 =	vmov s24;
	s19 =	smov.u32 s20;
	v54 =	vmov s18;
	s18 =	sadd.s32 $0xC0, s22;
	v50 =	vbroadcast v50, $0x0;
	[tilespmem:s20+$0xFFFFFF00] =	vst v42;
	v40 =	vld.idx.msk [tilespmem:v40+s12+$0x0], $0xffff  }
0xf1: {  	v56 =	vmov s25;
	v55 =	vmov s23;
	v42 =	vmov s26;
	v39 =	vld.idx.msk [tilespmem:v39+s12+$0x0], $0xffff  }
0xf2: {  	v42 =	vshrl.u32 v42, $0x7;
	v57 =	vmov s18;
	v50 =	vor.u32 v4, v50;
	[tilespmem:s20+$0xFFFFFF10] =	vst v41;
	v38 =	vld.idx.msk [tilespmem:v38+s12+$0x0], $0xffff  }
0xf3: {  	v32 =	vshrl.u32 v32, $0x7;
	v35 =	vshrl.u32 v35, $0x7;
	v41 =	vshrl.u32 v51, $0x7;
	[tilespmem:s20+$0xFFFFFF20] =	vst v47;
	v37 =	vld.idx.msk [tilespmem:v37+s12+$0x0], $0xffff  }
0xf4: {  	v33 =	vshrl.u32 v33, $0x7;
	v51 =	vshrl.u32 v53, $0x7;
	v47 =	vshrl.u32 v52, $0x7;
	[tilespmem:s20+$0xFFFFFF30] =	vst v46;
	v36 =	vld.idx.msk [tilespmem:v36+s12+$0x0], $0xffff  }
0xf5: {  	v53 =	vshrl.u32 v56, $0x7;
	v52 =	vshrl.u32 v55, $0x7;
	v46 =	vshrl.u32 v54, $0x7;
	[tilespmem:s20+$0xFFFFFF40] =	vst v44;
	v34 =	vld.idx.msk [tilespmem:v34+s12+$0x0], $0xffff  }
0xf6: {  	v42 =	vshll.u32 v42, v1;
	v54 =	vshrl.u32 v57, $0x7;
	v44 =	vshll.u32 v32, v1;
	[tilespmem:s20+$0xFFFFFF50] =	vst v43;
	v32 =	vld.idx.msk [tilespmem:v31+s12+$0x0], $0xffff  }
0xf7: {  	v41 =	vshll.u32 v41, v1;
	v31 =	vshll.u32 v35, v1;
	v43 =	vshll.u32 v33, v1;
	v50 =	vld.idx.msk [tilespmem:v50+s12+$0x0], $0xffff  }
0xf8: {  	v51 =	vshll.u32 v51, v1;
	v47 =	vshll.u32 v47, v1;
	v46 =	vshll.u32 v46, v1;
	v35 =	vld.idx.msk [tilespmem:v48+s12+$0x0], $0xffff  }
0xf9: {  	v48 =	vshll.u32 v52, v1;
	v52 =	vshll.u32 v53, v1;
	v53 =	vshll.u32 v54, v1;
	v33 =	vld.idx.msk [tilespmem:v45+s12+$0x0], $0xffff  }
0xfa: {  	v42 =	vbroadcast v42, $0x0;
	v44 =	vbroadcast v44, $0x0;
	v45 =	vshll.u32 v49, v1;
	[tilespmem:s20+$0xFFFFFF60] =	vst v40  }
0xfb: {  	v31 =	vbroadcast v31, $0x0;
	v40 =	vbroadcast v41, $0x0;
	[tilespmem:s20+$0xFFFFFF70] =	vst v39  }
0xfc: {  	v49 =	vbroadcast v47, $0x0;
	v41 =	vbroadcast v43, $0x0;
	v39 =	vor.u32 v0, v42;
	s20 =	sadd.s32 $0x200, s20;
	[tilespmem:s19+$0x10] =	vst v38  }
0xfd: {  	s18 =	simm.s32 $0x19180;
	v51 =	vbroadcast v51, $0x0;
	v55 =	vbroadcast v46, $0x0;
	v54 =	vor.u32 v2, v42;
	[tilespmem:s20+$0x70] =	vst v50  }
.Ltmp4:
0xfe: {  	v47 =	vor.u32 v3, v42;
	v52 =	vbroadcast v52, $0x0;
	v50 =	vbroadcast v48, $0x0;
	[tilespmem:s19+$0x20] =	vst v37;
	(pc) =	sbr.rel @p1 .LBB2_6-.Ltmp4, $4  }
0xff: {  	v46 =	vor.u32 v4, v42;
	v45 =	vbroadcast v45, $0x0;
	v48 =	vbroadcast v53, $0x0;
	[tilespmem:s19+$0x30] =	vst v36  }
0x100: {  	v44 =	vor.u32 v0, v44;
	v43 =	vor.u32 v2, v31;
	v40 =	vor.u32 v3, v40;
	[tilespmem:s19+$0x40] =	vst v34  }
0x101: {  	v38 =	vor.u32 v2, v49;
	v37 =	vor.u32 v3, v51;
	v42 =	vld.idx.msk [tilespmem:v39+s12+$0x0], $0xffff;
	v39 =	vor.u32 v4, v41  }
0x102: {  	s22 =	sadd.s32 $0x200, s22;
	v31 =	vor.u32 v2, v52;
	v36 =	vor.u32 v4, v55;
	v34 =	vor.u32 v0, v50;
	v41 =	vld.idx.msk [tilespmem:v54+s12+$0x0], $0xffff  }
0x103: {  	_ =	sdelay $0x3  }
0x104: {  	v47 =	vld.idx.msk [tilespmem:v47+s12+$0x0], $0xffff;
	[tilespmem:s19+$0x50] =	vst v32  }
0x105: {  	v63 =	vld.idx.msk [tilespmem:v46+s12+$0x0], $0xffff;
	[tilespmem:s19+$0x60] =	vst v35  }
0x106: {  	v44 =	vld.idx.msk [tilespmem:v44+s12+$0x0], $0xffff;
	[tilespmem:s19+$0x0] =	vst v33  }
0x107: {  	v46 =	vld.idx.msk [tilespmem:v43+s12+$0x0], $0xffff;
	[tilespmem:s20+$0xFFFFFF00] =	vst v42  }
0x108: {  	v40 =	vld.idx.msk [tilespmem:v40+s12+$0x0], $0xffff;
	[tilespmem:s20+$0xFFFFFF10] =	vst v41  }
0x109: {  	v39 =	vld.idx.msk [tilespmem:v39+s12+$0x0], $0xffff;
	[tilespmem:s20+$0xFFFFFF20] =	vst v47  }
0x10a: {  	v49 =	vor.u32 v3, v48;
	v38 =	vld.idx.msk [tilespmem:v38+s12+$0x0], $0xffff;
	[tilespmem:s20+$0xFFFFFF30] =	vst v63  }
0x10b: {  	v50 =	vor.u32 v0, v45;
	v37 =	vld.idx.msk [tilespmem:v37+s12+$0x0], $0xffff;
	[tilespmem:s20+$0xFFFFFF40] =	vst v44  }
0x10c: {  	v51 =	vld.idx.msk [tilespmem:v36+s12+$0x0], $0xffff;
	[tilespmem:s20+$0xFFFFFF50] =	vst v46  }
0x10d: {  	v52 =	vld.idx.msk [tilespmem:v34+s12+$0x0], $0xffff;
	[tilespmem:s20+$0xFFFFFF60] =	vst v40  }
0x10e: {  	v31 =	vld.idx.msk [tilespmem:v31+s12+$0x0], $0xffff;
	v7 =	vadd.s32 $0x80, v7;
	[tilespmem:s20+$0xFFFFFF70] =	vst v39  }
0x10f: {  	v17 =	vadd.s32 $0x80, v17;
	v7 =	vbroadcast v7, $0x0;
	v53 =	vld.idx.msk [tilespmem:v49+s12+$0x0], $0xffff;
	[tilespmem:s20+$0x10] =	vst v38  }
0x110: {  	v17 =	vbroadcast v17, $0x0;
	v32 =	vld.idx.msk [tilespmem:v50+s12+$0x0], $0xffff;
	[tilespmem:s20+$0x20] =	vst v37  }
0x111: {  	v7 =	vor.u32 v4, v7;
	[tilespmem:s20+$0x30] =	vst v51  }
0x112: {  	v54 =	vor.u32 v0, v17;
	[tilespmem:s20+$0x40] =	vst v52  }
0x113: {  	v15 =	vadd.s32 $0x80, v15;
	v55 =	vor.u32 v2, v17;
	[tilespmem:s20+$0x50] =	vst v31  }
0x114: {  	v14 =	vadd.s32 $0x80, v14;
	v15 =	vbroadcast v15, $0x0;
	v56 =	vor.u32 v3, v17;
	[tilespmem:s20+$0x60] =	vst v53  }
0x115: {  	v13 =	vadd.s32 $0x80, v13;
	v14 =	vbroadcast v14, $0x0;
	v17 =	vor.u32 v4, v17;
	[tilespmem:s20+$0x0] =	vst v32  }
0x116: {  	v16 =	vadd.s32 $0x80, v16;
	v13 =	vbroadcast v13, $0x0;
	v15 =	vor.u32 v2, v15;
	v7 =	vld.idx.msk [tilespmem:v7+s12+$0x0], $0xffff  }
0x117: {  	v16 =	vbroadcast v16, $0x0;
	v14 =	vor.u32 v3, v14;
	v32 =	vld.idx.msk [tilespmem:v54+s12+$0x0], $0xffff  }
0x118: {  	v12 =	vadd.s32 $0x80, v12;
	v11 =	vadd.s32 $0x80, v11;
	v13 =	vor.u32 v4, v13;
	v31 =	vld.idx.msk [tilespmem:v55+s12+$0x0], $0xffff  }
0x119: {  	v10 =	vadd.s32 $0x80, v10;
	v12 =	vbroadcast v12, $0x0;
	v16 =	vor.u32 v0, v16;
	v57 =	vld.idx.msk [tilespmem:v56+s12+$0x0], $0xffff  }
0x11a: {  	v9 =	vadd.s32 $0x80, v9;
	v8 =	vadd.s32 $0x80, v8;
	v10 =	vbroadcast v10, $0x0;
	v17 =	vld.idx.msk [tilespmem:v17+s12+$0x0], $0xffff  }
0x11b: {  	v6 =	vadd.s32 $0x80, v6;
	v8 =	vbroadcast v8, $0x0;
	v12 =	vor.u32 v2, v12;
	v15 =	vld.idx.msk [tilespmem:v15+s12+$0x0], $0xffff  }
0x11c: {  	v11 =	vbroadcast v11, $0x0;
	v10 =	vor.u32 v4, v10;
	v14 =	vld.idx.msk [tilespmem:v14+s12+$0x0], $0xffff;
	[tilespmem:s18+$0x70] =	vst v7;
	v7 =	vbroadcast v9, $0x0  }
0x11d: {  	v6 =	vbroadcast v6, $0x0;
	v8 =	vor.u32 v2, v8;
	v13 =	vld.idx.msk [tilespmem:v13+s12+$0x0], $0xffff;
	[tilespmem:s18+$0xFFFFFF00] =	vst v32  }
0x11e: {  	v9 =	vor.u32 v3, v11;
	v11 =	vld.idx.msk [tilespmem:v16+s12+$0x0], $0xffff;
	v16 =	vadd.s32 $0x80, v18;
	[tilespmem:s18+$0xFFFFFF10] =	vst v31;
	v7 =	vor.u32 v0, v7  }
0x11f: {  	v5 =	vadd.s32 $0x80, v5;
	[tilespmem:s18+$0xFFFFFF20] =	vst v57;
	v16 =	vbroadcast v16, $0x0  }
0x120: {  	v5 =	vbroadcast v5, $0x0;
	v6 =	vor.u32 v3, v6;
	v12 =	vld.idx.msk [tilespmem:v12+s12+$0x0], $0xffff;
	[tilespmem:s18+$0xFFFFFF30] =	vst v17  }
0x121: {  	v58 =	vadd.s32 $0x80, v19;
	v10 =	vld.idx.msk [tilespmem:v10+s12+$0x0], $0xffff;
	[tilespmem:s18+$0xFFFFFF50] =	vst v15;
	v16 =	vor.u32 v4, v16  }
0x122: {  	v59 =	vor.u32 v0, v5;
	v8 =	vld.idx.msk [tilespmem:v8+s12+$0x0], $0xffff;
	v15 =	vadd.s32 $0x80, v20;
	v17 =	vadd.s32 $0x80, v28;
	[tilespmem:s18+$0xFFFFFF60] =	vst v14  }
0x123: {  	v18 =	vadd.s32 $0x80, v29;
	v14 =	vadd.s32 $0x80, v21;
	v20 =	vadd.s32 $0x80, v26;
	[tilespmem:s18+$0xFFFFFF70] =	vst v13;
	v7 =	vld.idx.msk [tilespmem:v7+s12+$0x0], $0xffff  }
0x124: {  	v21 =	vadd.s32 $0x80, v27;
	v13 =	vadd.s32 $0x80, v22;
	v9 =	vld.idx.msk [tilespmem:v9+s12+$0x0], $0xffff;
	[tilespmem:s18+$0xFFFFFF40] =	vst v11;
	v11 =	vadd.s32 $0x80, v25  }
0x125: {  	v6 =	vld.idx.msk [tilespmem:v6+s12+$0x0], $0xffff;
	v22 =	vadd.s32 $0x80, v23;
	v23 =	vadd.s32 $0x80, v24;
	[tilespmem:s18+$0x10] =	vst v12;
	v11 =	vbroadcast v11, $0x0  }
0x126: {  	v12 =	vadd.s32 $0x80, v30;
	[tilespmem:s18+$0x30] =	vst v10;
	v60 =	vbroadcast v18, $0x0;
	v61 =	vbroadcast v14, $0x0;
	v16 =	vld.idx.msk [tilespmem:v16+s12+$0x0], $0xffff  }
0x127: {  	[tilespmem:s18+$0x50] =	vst v8;
	v62 =	vbroadcast v20, $0x0;
	v21 =	vbroadcast v21, $0x0;
	v10 =	vor.u32 v0, v11  }
0x128: {  	v63 =	vbroadcast v13, $0x0;
	v22 =	vbroadcast v22, $0x0;
	[tilespmem:s18+$0x40] =	vst v7;
	v7 =	vor.u32 v2, v11  }
0x129: {  	v18 =	vor.u32 v3, v11;
	[tilespmem:s18+$0x20] =	vst v9;
	v9 =	vbroadcast v15, $0x0;
	v15 =	vbroadcast v17, $0x0  }
0x12a: {  	s19 =	simm.s32 $0x19380;
	[tilespmem:s18+$0x60] =	vst v6;
	v19 =	vbroadcast v23, $0x0;
	v20 =	vbroadcast v58, $0x0;
	v17 =	vor.u32 v4, v11  }
0x12b: {  	v5 =	vbroadcast v12, $0x0;
	v14 =	vor.u32 v2, v15;
	v15 =	vld.idx.msk [tilespmem:v59+s12+$0x0], $0xffff;
	[tilespmem:s19+$0x70] =	vst v16;
	v16 =	vor.u32 v0, v9  }
0x12c: {  	v8 =	vor.u32 v4, v63;
	v6 =	vor.u32 v0, v22;
	v11 =	vor.u32 v3, v60;
	v13 =	vld.idx.msk [tilespmem:v10+s12+$0x0], $0xffff  }
0x12d: {  	s21 =	simm.s32 $0x500;
	s20 =	simm.s32 $0x10;
	v10 =	vor.u32 v4, v61;
	v9 =	vor.u32 v2, v62;
	v12 =	vld.idx.msk [tilespmem:v7+s12+$0x0], $0xffff;
	v7 =	vor.u32 v3, v21  }
.LBB2_8:
0x12e: {  	s22 =	sadd.s32 $0xFFFFFF80, s21;
	v21 =	vmov s21;
	s23 =	sadd.s32 $0xE0, s21;
	s20 =	sadd.s32 $0x10, s20;
	v18 =	vld.idx.msk [tilespmem:v18+s12+$0x0], $0xffff;
	v19 =	vor.u32 v2, v19;
	v20 =	vor.u32 v3, v20  }
0x12f: {  	s24 =	sadd.s32 $0xFFFFFFC0, s21;
	v22 =	vmov s22;
	s22 =	sadd.s32 $0xFFFFFFA0, s21;
	v21 =	vshrl.u32 v21, $0x7;
	v23 =	vmov s23;
	p1 =	slt.u32 s20, $0x310;
	v17 =	vld.idx.msk [tilespmem:v17+s12+$0x0], $0xffff  }
0x130: {  	v25 =	vmov s24;
	s23 =	sadd.s32 $0x20, s21;
	s24 =	sadd.s32 $0x40, s21;
	v24 =	vmov s22;
	s22 =	sadd.s32 $0xFFFFFFE0, s21;
	v23 =	vshrl.u32 v23, $0x7;
	v16 =	vld.idx.msk [tilespmem:v16+s12+$0x0], $0xffff  }
0x131: {  	s25 =	sadd.s32 $0xA0, s21;
	v27 =	vmov s23;
	s23 =	sadd.s32 $0x80, s21;
	v26 =	vmov s22;
	s22 =	sadd.s32 $0x60, s21;
	v23 =	vshll.u32 v23, v1;
	v14 =	vld.idx.msk [tilespmem:v14+s12+$0x0], $0xffff;
	[tilespmem:s18+$0x0] =	vst v15  }
0x132: {  	s26 =	sadd.s32 $0xFFFFFF00, s21;
	v15 =	vmov s24;
	s18 =	smov.u32 s19;
	v28 =	vmov s22;
	s22 =	sadd.s32 $0xC0, s21;
	v23 =	vadd.s32 $0x80, v23;
	[tilespmem:s19+$0xFFFFFF00] =	vst v13;
	v11 =	vld.idx.msk [tilespmem:v11+s12+$0x0], $0xffff  }
0x133: {  	v29 =	vmov s23;
	v13 =	vmov s26;
	v23 =	vbroadcast v23, $0x0;
	[tilespmem:s19+$0xFFFFFF10] =	vst v12;
	v10 =	vld.idx.msk [tilespmem:v10+s12+$0x0], $0xffff  }
0x134: {  	v12 =	vshrl.u32 v13, $0x7;
	v13 =	vmov s25;
	v30 =	vmov s22;
	[tilespmem:s19+$0xFFFFFF20] =	vst v18;
	v9 =	vld.idx.msk [tilespmem:v9+s12+$0x0], $0xffff  }
0x135: {  	v18 =	vshrl.u32 v22, $0x7;
	v22 =	vshrl.u32 v24, $0x7;
	v23 =	vor.u32 v4, v23;
	[tilespmem:s19+$0xFFFFFF30] =	vst v17;
	v7 =	vld.idx.msk [tilespmem:v7+s12+$0x0], $0xffff  }
0x136: {  	v24 =	vshrl.u32 v26, $0x7;
	v17 =	vshrl.u32 v25, $0x7;
	v25 =	vshrl.u32 v27, $0x7;
	[tilespmem:s19+$0xFFFFFF40] =	vst v16;
	v8 =	vld.idx.msk [tilespmem:v8+s12+$0x0], $0xffff  }
0x137: {  	v15 =	vshrl.u32 v15, $0x7;
	v26 =	vshrl.u32 v29, $0x7;
	v16 =	vshrl.u32 v28, $0x7;
	[tilespmem:s19+$0xFFFFFF50] =	vst v14;
	v6 =	vld.idx.msk [tilespmem:v6+s12+$0x0], $0xffff  }
0x138: {  	v12 =	vshll.u32 v12, v1;
	v13 =	vshrl.u32 v13, $0x7;
	v14 =	vshrl.u32 v30, $0x7;
	[tilespmem:s19+$0xFFFFFF60] =	vst v11;
	v11 =	vld.idx.msk [tilespmem:v19+s12+$0x0], $0xffff  }
0x139: {  	v18 =	vshll.u32 v18, v1;
	v17 =	vshll.u32 v17, v1;
	v19 =	vshll.u32 v22, v1;
	v20 =	vld.idx.msk [tilespmem:v20+s12+$0x0], $0xffff  }
0x13a: {  	v15 =	vshll.u32 v15, v1;
	v22 =	vshll.u32 v24, v1;
	v24 =	vshll.u32 v25, v1;
	v23 =	vld.idx.msk [tilespmem:v23+s12+$0x0], $0xffff  }
0x13b: {  	v13 =	vshll.u32 v13, v1;
	v16 =	vshll.u32 v16, v1;
	v25 =	vshll.u32 v26, v1;
	[tilespmem:s19+$0xFFFFFF70] =	vst v10  }
0x13c: {  	v14 =	vshll.u32 v14, v1;
	v10 =	vadd.s32 $0x80, v12;
	v12 =	vshll.u32 v21, v1;
	[tilespmem:s19+$0x10] =	vst v9  }
0x13d: {  	v17 =	vadd.s32 $0x80, v17;
	v9 =	vadd.s32 $0x80, v18;
	v18 =	vadd.s32 $0x80, v19;
	[tilespmem:s19+$0x20] =	vst v7  }
0x13e: {  	v15 =	vadd.s32 $0x80, v15;
	v19 =	vadd.s32 $0x80, v24;
	v7 =	vadd.s32 $0x80, v22;
	[tilespmem:s19+$0x30] =	vst v8  }
0x13f: {  	v13 =	vadd.s32 $0x80, v13;
	v8 =	vadd.s32 $0x80, v16;
	v16 =	vadd.s32 $0x80, v25;
	s19 =	sadd.s32 $0x200, s19;
	[tilespmem:s18+$0x40] =	vst v6  }
0x140: {  	v6 =	vbroadcast v10, $0x0;
	v10 =	vadd.s32 $0x80, v12;
	v12 =	vadd.s32 $0x80, v14;
	[tilespmem:s19+$0x70] =	vst v23  }
0x141: {  	v21 =	vor.u32 v0, v5;
	v9 =	vbroadcast v9, $0x0;
	v14 =	vbroadcast v18, $0x0;
	[tilespmem:s18+$0x50] =	vst v11  }
0x142: {  	v22 =	vbroadcast v17, $0x0;
	v7 =	vbroadcast v7, $0x0;
	v11 =	vor.u32 v0, v6;
	[tilespmem:s18+$0x60] =	vst v20  }
0x143: {  	v24 =	vbroadcast v19, $0x0;
	v25 =	vbroadcast v15, $0x0;
	v23 =	vor.u32 v2, v6  }
.Ltmp5:
0x144: {  	v8 =	vbroadcast v8, $0x0;
	v26 =	vbroadcast v16, $0x0;
	v18 =	vor.u32 v3, v6;
	(pc) =	sbr.rel @p1 .LBB2_8-.Ltmp5, $4  }
0x145: {  	v19 =	vbroadcast v13, $0x0;
	v17 =	vor.u32 v4, v6;
	v20 =	vbroadcast v12, $0x0  }
0x146: {  	v16 =	vor.u32 v0, v9;
	v5 =	vbroadcast v10, $0x0;
	v14 =	vor.u32 v2, v14;
	v15 =	vld.idx.msk [tilespmem:v21+s12+$0x0], $0xffff  }
0x147: {  	v9 =	vor.u32 v2, v24;
	v10 =	vor.u32 v4, v7;
	v13 =	vld.idx.msk [tilespmem:v11+s12+$0x0], $0xffff;
	v11 =	vor.u32 v3, v22  }
0x148: {  	s21 =	sadd.s32 $0x200, s21;
	v7 =	vor.u32 v3, v25;
	v8 =	vor.u32 v4, v8;
	v6 =	vor.u32 v0, v26;
	v12 =	vld.idx.msk [tilespmem:v23+s12+$0x0], $0xffff  }
0x149: {  	_ =	sdelay $0x3  }
0x14a: {  	v18 =	vld.idx.msk [tilespmem:v18+s12+$0x0], $0xffff  }
0x14b: {  	v17 =	vld.idx.msk [tilespmem:v17+s12+$0x0], $0xffff  }
0x14c: {  	v16 =	vld.idx.msk [tilespmem:v16+s12+$0x0], $0xffff;
	[tilespmem:s18+$0x0] =	vst v15  }
0x14d: {  	v14 =	vld.idx.msk [tilespmem:v14+s12+$0x0], $0xffff;
	[tilespmem:s19+$0xFFFFFF00] =	vst v13  }
0x14e: {  	v11 =	vld.idx.msk [tilespmem:v11+s12+$0x0], $0xffff;
	s22 =	simm.s32 $0xE0;
	[tilespmem:s19+$0xFFFFFF10] =	vst v12  }
0x14f: {  	v5 =	vor.u32 v0, v5;
	v10 =	vld.idx.msk [tilespmem:v10+s12+$0x0], $0xffff;
	s26 =	simm.s32 $0x0;
	v21 =	vmov s22;
	[tilespmem:s19+$0xFFFFFF20] =	vst v18  }
0x150: {  	s31 =	simm.s32 $0xA0;
	v9 =	vld.idx.msk [tilespmem:v9+s12+$0x0], $0xffff;
	s22 =	simm.s32 $0x1A0;
	v24 =	vmov s26;
	v15 =	vor.u32 v2, v19;
	v19 =	vor.u32 v3, v20;
	[tilespmem:s19+$0xFFFFFF30] =	vst v17  }
0x151: {  	s20 =	simm.s32 $0x80;
	v22 =	vld.idx.msk [tilespmem:v7+s12+$0x0], $0xffff;
	s26 =	simm.s32 $0x360;
	v20 =	vmov s31;
	v25 =	vmov s22;
	v24 =	vshrl.u32 v24, $0x7;
	[tilespmem:s19+$0xFFFFFF40] =	vst v16  }
0x152: {  	s29 =	simm.s32 $0x100;
	v8 =	vld.idx.msk [tilespmem:v8+s12+$0x0], $0xffff;
	v21 =	vshrl.u32 v21, $0x7;
	s22 =	simm.s32 $0x2C0;
	v42 =	vmov s26;
	v13 =	vmov s20;
	[tilespmem:s19+$0xFFFFFF50] =	vst v14  }
0x153: {  	s30 =	simm.s32 $0x1E0;
	s21 =	simm.s32 $0xC0;
	v6 =	vld.idx.msk [tilespmem:v6+s12+$0x0], $0xffff;
	v25 =	vshrl.u32 v25, $0x7;
	v38 =	vmov s22;
	v12 =	vmov s29;
	[tilespmem:s19+$0xFFFFFF60] =	vst v11  }
0x154: {  	s23 =	simm.s32 $0x120;
	s25 =	simm.s32 $0x160;
	v18 =	vshrl.u32 v12, $0x7;
	v12 =	vmov s30;
	v17 =	vmov s21;
	[tilespmem:s19+$0xFFFFFF70] =	vst v10;
	v5 =	vld.idx.msk [tilespmem:v5+s12+$0x0], $0xffff  }
0x155: {  	s28 =	simm.s32 $0x180;
	v53 =	vshrl.u32 v42, $0x7;
	s29 =	simm.s32 $0x1C0;
	v16 =	vmov s23;
	v14 =	vmov s25;
	[tilespmem:s19+$0x10] =	vst v9;
	v26 =	vld.idx.msk [tilespmem:v15+s12+$0x0], $0xffff  }
0x156: {  	v13 =	vshrl.u32 v13, $0x7;
	v11 =	vmov s28;
	v10 =	vmov s29;
	[tilespmem:s19+$0x20] =	vst v22;
	v19 =	vld.idx.msk [tilespmem:v19+s12+$0x0], $0xffff  }
0x157: {  	v9 =	vshrl.u32 v20, $0x7;
	[tilespmem:s19+$0x30] =	vst v8;
	v12 =	vshrl.u32 v12, $0x7;
	v20 =	vshrl.u32 v17, $0x7  }
0x158: {  	[tilespmem:s19+$0x40] =	vst v6;
	v22 =	vshrl.u32 v16, $0x7;
	v28 =	vshrl.u32 v14, $0x7;
	v8 =	vshrl.u32 v11, $0x7  }
0x159: {  	s21 =	simm.s32 $0x2A0;
	s23 =	simm.s32 $0x2E0;
	v17 =	vshll.u32 v24, v1;
	v16 =	vshll.u32 v13, v1;
	v6 =	vshrl.u32 v10, $0x7;
	[tilespmem:s19+$0x0] =	vst v5  }
0x15a: {  	s25 =	simm.s32 $0x340;
	s28 =	simm.s32 $0x380;
	s29 =	simm.s32 $0x200;
	v13 =	vshll.u32 v21, v1;
	v37 =	vmov s21;
	v39 =	vmov s23;
	[tilespmem:s19+$0x50] =	vst v26  }
0x15b: {  	s24 =	simm.s32 $0x140;
	v41 =	vmov s25;
	v44 =	vmov s29;
	v45 =	vmov s28;
	[tilespmem:s19+$0x60] =	vst v19  }
0x15c: {  	v7 =	vshll.u32 v12, v1;
	v12 =	vmov s24;
	v15 =	vshll.u32 v9, v1;
	[hbm4b:s7+s2] =	stream.linear.scatter [tilespmem:s14], [sflag:$0x3], $0x6400, $0x38;
	[tilespmem:$0x1F400] =	vst v63  }
0x15d: {  	s18 =	simm.s32 @!p0 $0x0;
	v14 =	vshll.u32 v20, v1;
	v10 =	vshll.u32 v28, v1;
	v9 =	vshll.u32 v8, v1;
	s19 =	simm.s32 @!p0 $0xC800  }
0x15e: {  	v8 =	vshll.u32 v25, v1;
	v20 =	vbroadcast v16, $0x0;
	v23 =	vbroadcast v7, $0x0;
	[tilespmem:s19], [sflag:$0x2] =	stream.linear.gather @!p0 [hbm4b:s8+s18], $0xC800, $0x38;
	[tilespmem:$0x1F400] =	vst v63  }
0x15f: {  	v6 =	vshll.u32 v6, v1;
	v24 =	vbroadcast v13, $0x0;
	v19 =	vbroadcast v17, $0x0;
	_ =	swait.ge [sflag:s13], $0xC800  }
0x160: {  	v44 =	vshrl.u32 v44, $0x7;
	v37 =	vshrl.u32 v37, $0x7;
	v23 =	vor.u32 v4, v23;
	[sflag:s13] =	ssyncset.done $0x0  }
0x161: {  	v27 =	vshrl.u32 v12, $0x7;
	v12 =	vshll.u32 v22, v1;
	v22 =	vor.u32 v0, v19;
	[sflag:s13] =	ssyncadd.s32 $0xFFFF3800  }
0x162: {  	v54 =	vshrl.u32 v45, $0x7;
	v21 =	vbroadcast v14, $0x0;
	v26 =	vor.u32 v2, v19;
	_ =	swait.ge [sflag:s16], $0x6400  }
0x163: {  	v5 =	vshll.u32 v18, v1;
	v18 =	vbroadcast v15, $0x0;
	v29 =	vor.u32 v3, v19;
	[sflag:s16] =	ssyncset.done $0x0  }
0x164: {  	v28 =	vbroadcast v10, $0x0;
	v30 =	vbroadcast v9, $0x0;
	v19 =	vor.u32 v4, v19;
	[sflag:s16] =	ssyncadd.s32 $0xFFFF9C00  }
0x165: {  	v31 =	vbroadcast v8, $0x0;
	v33 =	vbroadcast v6, $0x0;
	v34 =	vor.u32 v2, v18;
	v23 =	vld.idx.msk [tilespmem:v23+s2+$0x0], $0xffff  }
0x166: {  	s24 =	simm.s32 $0x320;
	v11 =	vshll.u32 v27, v1;
	v25 =	vbroadcast v12, $0x0;
	v21 =	vor.u32 v3, v21;
	v22 =	vld.idx.msk [tilespmem:v22+s2+$0x0], $0xffff  }
0x167: {  	v40 =	vmov s24;
	v24 =	vor.u32 v4, v24;
	v27 =	vbroadcast v11, $0x0;
	v26 =	vld.idx.msk [tilespmem:v26+s2+$0x0], $0xffff  }
0x168: {  	v20 =	vor.u32 v0, v20;
	v51 =	vshrl.u32 v40, $0x7;
	v25 =	vor.u32 v2, v25;
	v29 =	vld.idx.msk [tilespmem:v29+s2+$0x0], $0xffff  }
0x169: {  	s30 =	simm.s32 $0x300;
	v35 =	vor.u32 v4, v28;
	v30 =	vor.u32 v0, v30;
	v27 =	vor.u32 v3, v27;
	v19 =	vld.idx.msk [tilespmem:v19+s2+$0x0], $0xffff  }
0x16a: {  	s31 =	simm.s32 $0x280;
	s20 =	simm.s32 $0x3E0;
	v31 =	vor.u32 v2, v31;
	v33 =	vor.u32 v3, v33;
	v18 =	vmov s30;
	v34 =	vld.idx.msk [tilespmem:v34+s2+$0x0], $0xffff  }
0x16b: {  	v28 =	vmov s31;
	s31 =	simm.s32 $0x3C0;
	v49 =	vshrl.u32 v18, $0x7;
	v18 =	vmov s20;
	v50 =	vld.idx.msk [tilespmem:v21+s2+$0x0], $0xffff  }
0x16c: {  	v32 =	vbroadcast v5, $0x0;
	v46 =	vmov s31;
	v18 =	vshrl.u32 v18, $0x7;
	v52 =	vld.idx.msk [tilespmem:v24+s2+$0x0], $0xffff  }
0x16d: {  	v28 =	vshrl.u32 v28, $0x7;
	v56 =	vshrl.u32 v46, $0x7;
	v18 =	vshll.u32 v18, v1;
	s19 =	simm.s32 $0x19100;
	v55 =	vld.idx.msk [tilespmem:v25+s2+$0x0], $0xffff  }
0x16e: {  	v36 =	vor.u32 v0, v32;
	v43 =	vbroadcast v18, $0x0;
	v25 =	vshll.u32 v44, v1;
	v44 =	vld.idx.msk [tilespmem:v27+s2+$0x0], $0xffff;
	[tilespmem:s19+$0x70] =	vst v23  }
0x16f: {  	v24 =	vshrl.u32 v41, $0x7;
	v61 =	vld.idx.msk [tilespmem:v30+s2+$0x0], $0xffff;
	v30 =	vshll.u32 v49, v1;
	v59 =	vbroadcast v25, $0x0;
	[tilespmem:s19+$0xFFFFFF00] =	vst v22  }
0x170: {  	v21 =	vshrl.u32 v38, $0x7;
	v32 =	vld.idx.msk [tilespmem:v31+s2+$0x0], $0xffff;
	v27 =	vshll.u32 v24, v1;
	v45 =	vbroadcast v30, $0x0;
	[tilespmem:s19+$0xFFFFFF10] =	vst v26  }
0x171: {  	s30 =	simm.s32 $0x3A0;
	v63 =	vor.u32 v0, v59;
	v31 =	vor.u32 v2, v59;
	v47 =	vor.u32 v3, v59;
	[tilespmem:s19+$0xFFFFFF20] =	vst v29  }
0x172: {  	v46 =	vor.u32 v4, v59;
	v23 =	vld.idx.msk [tilespmem:v20+s2+$0x0], $0xffff;
	v20 =	vmov s30;
	v22 =	vor.u32 v4, v43;
	[tilespmem:s19+$0xFFFFFF30] =	vst v19  }
0x173: {  	v58 =	vld.idx.msk [tilespmem:v35+s2+$0x0], $0xffff;
	v26 =	vshrl.u32 v39, $0x7;
	v29 =	vshll.u32 v21, v1;
	[tilespmem:s19+$0xFFFFFF70] =	vst v52;
	v52 =	vbroadcast v27, $0x0  }
0x174: {  	[tilespmem:s19+$0xFFFFFF50] =	vst v34;
	v19 =	vshrl.u32 v20, $0x7;
	v20 =	vshll.u32 v28, v1;
	v28 =	vshll.u32 v37, v1  }
0x175: {  	[tilespmem:s19+$0xFFFFFF60] =	vst v50;
	v21 =	vshll.u32 v26, v1;
	v26 =	vshll.u32 v51, v1;
	v49 =	vbroadcast v29, $0x0  }
0x176: {  	v35 =	vld.idx.msk [tilespmem:v33+s2+$0x0], $0xffff;
	[tilespmem:s19+$0x10] =	vst v55;
	v24 =	vshll.u32 v19, v1;
	v60 =	vbroadcast v20, $0x0;
	v62 =	vbroadcast v28, $0x0  }
0x177: {  	[tilespmem:s19+$0x20] =	vst v44;
	v19 =	vshll.u32 v56, v1;
	v50 =	vbroadcast v21, $0x0;
	v51 =	vbroadcast v26, $0x0;
	v57 =	vld.idx.msk [tilespmem:v22+s2+$0x0], $0xffff  }
0x178: {  	v33 =	vld.idx.msk [tilespmem:v36+s2+$0x0], $0xffff;
	[tilespmem:s19+$0x30] =	vst v58;
	v37 =	vor.u32 v3, v52;
	v55 =	vbroadcast v24, $0x0;
	v48 =	vbroadcast v19, $0x0  }
0x179: {  	v40 =	vor.u32 v3, v49;
	[tilespmem:s19+$0xFFFFFF40] =	vst v23;
	v22 =	vshll.u32 v53, v1;
	v23 =	vshll.u32 v54, v1  }
0x17a: {  	[tilespmem:s19+$0x40] =	vst v61;
	v42 =	vld.idx.msk [tilespmem:v63+s2+$0x0], $0xffff;
	v44 =	vor.u32 v0, v60;
	v53 =	vbroadcast v22, $0x0;
	v54 =	vbroadcast v23, $0x0  }
0x17b: {  	s20 =	simm.s32 $0x19300;
	v41 =	vld.idx.msk [tilespmem:v31+s2+$0x0], $0xffff;
	v43 =	vor.u32 v2, v62;
	v39 =	vor.u32 v4, v50;
	v38 =	vor.u32 v2, v51  }
0x17c: {  	s22 =	simm.s32 $0x500;
	s21 =	simm.s32 $0x10;
	v31 =	vor.u32 v2, v55;
	v36 =	vor.u32 v4, v53;
	v34 =	vor.u32 v0, v54;
	[tilespmem:s20+$0x70] =	vst v57  }
.LBB2_10:
0x17d: {  	s18 =	sadd.s32 $0xFFFFFF80, s22;
	v49 =	vmov s22;
	s23 =	sadd.s32 $0xE0, s22;
	s21 =	sadd.s32 $0x10, s21;
	v47 =	vld.idx.msk [tilespmem:v47+s2+$0x0], $0xffff;
	v45 =	vor.u32 v0, v45;
	v48 =	vor.u32 v3, v48;
	[tilespmem:s19+$0x50] =	vst v32  }
0x17e: {  	s24 =	sadd.s32 $0xFFFFFFC0, s22;
	v32 =	vmov s18;
	s18 =	sadd.s32 $0xFFFFFFA0, s22;
	v49 =	vshrl.u32 v49, $0x7;
	v50 =	vmov s23;
	p1 =	slt.u32 s21, $0x310;
	v46 =	vld.idx.msk [tilespmem:v46+s2+$0x0], $0xffff;
	[tilespmem:s19+$0x60] =	vst v35  }
0x17f: {  	v51 =	vmov s24;
	s23 =	sadd.s32 $0x20, s22;
	s24 =	sadd.s32 $0x40, s22;
	v35 =	vmov s18;
	s18 =	sadd.s32 $0xFFFFFFE0, s22;
	v50 =	vshrl.u32 v50, $0x7;
	v44 =	vld.idx.msk [tilespmem:v44+s2+$0x0], $0xffff;
	[tilespmem:s19+$0x0] =	vst v33  }
0x180: {  	s25 =	sadd.s32 $0xA0, s22;
	v52 =	vmov s23;
	s23 =	sadd.s32 $0x80, s22;
	v33 =	vmov s18;
	s18 =	sadd.s32 $0x60, s22;
	v50 =	vshll.u32 v50, v1;
	v43 =	vld.idx.msk [tilespmem:v43+s2+$0x0], $0xffff  }
0x181: {  	s26 =	sadd.s32 $0xFFFFFF00, s22;
	v53 =	vmov s24;
	s19 =	smov.u32 s20;
	v54 =	vmov s18;
	s18 =	sadd.s32 $0xC0, s22;
	v50 =	vbroadcast v50, $0x0;
	[tilespmem:s20+$0xFFFFFF00] =	vst v42;
	v40 =	vld.idx.msk [tilespmem:v40+s2+$0x0], $0xffff  }
0x182: {  	v56 =	vmov s25;
	v55 =	vmov s23;
	v42 =	vmov s26;
	v39 =	vld.idx.msk [tilespmem:v39+s2+$0x0], $0xffff  }
0x183: {  	v42 =	vshrl.u32 v42, $0x7;
	v57 =	vmov s18;
	v50 =	vor.u32 v4, v50;
	[tilespmem:s20+$0xFFFFFF10] =	vst v41;
	v38 =	vld.idx.msk [tilespmem:v38+s2+$0x0], $0xffff  }
0x184: {  	v32 =	vshrl.u32 v32, $0x7;
	v35 =	vshrl.u32 v35, $0x7;
	v41 =	vshrl.u32 v51, $0x7;
	[tilespmem:s20+$0xFFFFFF20] =	vst v47;
	v37 =	vld.idx.msk [tilespmem:v37+s2+$0x0], $0xffff  }
0x185: {  	v33 =	vshrl.u32 v33, $0x7;
	v51 =	vshrl.u32 v53, $0x7;
	v47 =	vshrl.u32 v52, $0x7;
	[tilespmem:s20+$0xFFFFFF30] =	vst v46;
	v36 =	vld.idx.msk [tilespmem:v36+s2+$0x0], $0xffff  }
0x186: {  	v53 =	vshrl.u32 v56, $0x7;
	v52 =	vshrl.u32 v55, $0x7;
	v46 =	vshrl.u32 v54, $0x7;
	[tilespmem:s20+$0xFFFFFF40] =	vst v44;
	v34 =	vld.idx.msk [tilespmem:v34+s2+$0x0], $0xffff  }
0x187: {  	v42 =	vshll.u32 v42, v1;
	v54 =	vshrl.u32 v57, $0x7;
	v44 =	vshll.u32 v32, v1;
	[tilespmem:s20+$0xFFFFFF50] =	vst v43;
	v32 =	vld.idx.msk [tilespmem:v31+s2+$0x0], $0xffff  }
0x188: {  	v41 =	vshll.u32 v41, v1;
	v31 =	vshll.u32 v35, v1;
	v43 =	vshll.u32 v33, v1;
	v50 =	vld.idx.msk [tilespmem:v50+s2+$0x0], $0xffff  }
0x189: {  	v51 =	vshll.u32 v51, v1;
	v47 =	vshll.u32 v47, v1;
	v46 =	vshll.u32 v46, v1;
	v35 =	vld.idx.msk [tilespmem:v48+s2+$0x0], $0xffff  }
0x18a: {  	v48 =	vshll.u32 v52, v1;
	v52 =	vshll.u32 v53, v1;
	v53 =	vshll.u32 v54, v1;
	v33 =	vld.idx.msk [tilespmem:v45+s2+$0x0], $0xffff  }
0x18b: {  	v42 =	vbroadcast v42, $0x0;
	v44 =	vbroadcast v44, $0x0;
	v45 =	vshll.u32 v49, v1;
	[tilespmem:s20+$0xFFFFFF60] =	vst v40  }
0x18c: {  	v31 =	vbroadcast v31, $0x0;
	v40 =	vbroadcast v41, $0x0;
	[tilespmem:s20+$0xFFFFFF70] =	vst v39  }
0x18d: {  	v49 =	vbroadcast v47, $0x0;
	v41 =	vbroadcast v43, $0x0;
	v39 =	vor.u32 v0, v42;
	s20 =	sadd.s32 $0x200, s20;
	[tilespmem:s19+$0x10] =	vst v38  }
0x18e: {  	s18 =	simm.s32 $0x19180;
	v51 =	vbroadcast v51, $0x0;
	v55 =	vbroadcast v46, $0x0;
	v54 =	vor.u32 v2, v42;
	[tilespmem:s20+$0x70] =	vst v50  }
.Ltmp6:
0x18f: {  	v47 =	vor.u32 v3, v42;
	v52 =	vbroadcast v52, $0x0;
	v50 =	vbroadcast v48, $0x0;
	[tilespmem:s19+$0x20] =	vst v37;
	(pc) =	sbr.rel @p1 .LBB2_10-.Ltmp6, $4  }
0x190: {  	v46 =	vor.u32 v4, v42;
	v45 =	vbroadcast v45, $0x0;
	v48 =	vbroadcast v53, $0x0;
	[tilespmem:s19+$0x30] =	vst v36  }
0x191: {  	v44 =	vor.u32 v0, v44;
	v43 =	vor.u32 v2, v31;
	v40 =	vor.u32 v3, v40;
	[tilespmem:s19+$0x40] =	vst v34  }
0x192: {  	v38 =	vor.u32 v2, v49;
	v37 =	vor.u32 v3, v51;
	v42 =	vld.idx.msk [tilespmem:v39+s2+$0x0], $0xffff;
	v39 =	vor.u32 v4, v41  }
0x193: {  	s22 =	sadd.s32 $0x200, s22;
	v31 =	vor.u32 v2, v52;
	v36 =	vor.u32 v4, v55;
	v34 =	vor.u32 v0, v50;
	v41 =	vld.idx.msk [tilespmem:v54+s2+$0x0], $0xffff  }
0x194: {  	_ =	sdelay $0x3  }
0x195: {  	v47 =	vld.idx.msk [tilespmem:v47+s2+$0x0], $0xffff;
	[tilespmem:s19+$0x50] =	vst v32  }
0x196: {  	v63 =	vld.idx.msk [tilespmem:v46+s2+$0x0], $0xffff;
	[tilespmem:s19+$0x60] =	vst v35  }
0x197: {  	v44 =	vld.idx.msk [tilespmem:v44+s2+$0x0], $0xffff;
	[tilespmem:s19+$0x0] =	vst v33  }
0x198: {  	v46 =	vld.idx.msk [tilespmem:v43+s2+$0x0], $0xffff;
	[tilespmem:s20+$0xFFFFFF00] =	vst v42  }
0x199: {  	v40 =	vld.idx.msk [tilespmem:v40+s2+$0x0], $0xffff;
	[tilespmem:s20+$0xFFFFFF10] =	vst v41  }
0x19a: {  	v39 =	vld.idx.msk [tilespmem:v39+s2+$0x0], $0xffff;
	[tilespmem:s20+$0xFFFFFF20] =	vst v47  }
0x19b: {  	v49 =	vor.u32 v3, v48;
	v38 =	vld.idx.msk [tilespmem:v38+s2+$0x0], $0xffff;
	[tilespmem:s20+$0xFFFFFF30] =	vst v63  }
0x19c: {  	v50 =	vor.u32 v0, v45;
	v37 =	vld.idx.msk [tilespmem:v37+s2+$0x0], $0xffff;
	[tilespmem:s20+$0xFFFFFF40] =	vst v44  }
0x19d: {  	v51 =	vld.idx.msk [tilespmem:v36+s2+$0x0], $0xffff;
	[tilespmem:s20+$0xFFFFFF50] =	vst v46  }
0x19e: {  	v52 =	vld.idx.msk [tilespmem:v34+s2+$0x0], $0xffff;
	[tilespmem:s20+$0xFFFFFF60] =	vst v40  }
0x19f: {  	v31 =	vld.idx.msk [tilespmem:v31+s2+$0x0], $0xffff;
	v7 =	vadd.s32 $0x80, v7;
	[tilespmem:s20+$0xFFFFFF70] =	vst v39  }
0x1a0: {  	v17 =	vadd.s32 $0x80, v17;
	v7 =	vbroadcast v7, $0x0;
	v53 =	vld.idx.msk [tilespmem:v49+s2+$0x0], $0xffff;
	[tilespmem:s20+$0x10] =	vst v38  }
0x1a1: {  	v17 =	vbroadcast v17, $0x0;
	v32 =	vld.idx.msk [tilespmem:v50+s2+$0x0], $0xffff;
	[tilespmem:s20+$0x20] =	vst v37  }
0x1a2: {  	v7 =	vor.u32 v4, v7;
	[tilespmem:s20+$0x30] =	vst v51  }
0x1a3: {  	v54 =	vor.u32 v0, v17;
	[tilespmem:s20+$0x40] =	vst v52  }
0x1a4: {  	v15 =	vadd.s32 $0x80, v15;
	v55 =	vor.u32 v2, v17;
	[tilespmem:s20+$0x50] =	vst v31  }
0x1a5: {  	v14 =	vadd.s32 $0x80, v14;
	v15 =	vbroadcast v15, $0x0;
	v56 =	vor.u32 v3, v17;
	[tilespmem:s20+$0x60] =	vst v53  }
0x1a6: {  	v13 =	vadd.s32 $0x80, v13;
	v14 =	vbroadcast v14, $0x0;
	v17 =	vor.u32 v4, v17;
	[tilespmem:s20+$0x0] =	vst v32  }
0x1a7: {  	v16 =	vadd.s32 $0x80, v16;
	v13 =	vbroadcast v13, $0x0;
	v15 =	vor.u32 v2, v15;
	v7 =	vld.idx.msk [tilespmem:v7+s2+$0x0], $0xffff  }
0x1a8: {  	v16 =	vbroadcast v16, $0x0;
	v14 =	vor.u32 v3, v14;
	v32 =	vld.idx.msk [tilespmem:v54+s2+$0x0], $0xffff  }
0x1a9: {  	v12 =	vadd.s32 $0x80, v12;
	v11 =	vadd.s32 $0x80, v11;
	v13 =	vor.u32 v4, v13;
	v31 =	vld.idx.msk [tilespmem:v55+s2+$0x0], $0xffff  }
0x1aa: {  	v10 =	vadd.s32 $0x80, v10;
	v12 =	vbroadcast v12, $0x0;
	v16 =	vor.u32 v0, v16;
	v57 =	vld.idx.msk [tilespmem:v56+s2+$0x0], $0xffff  }
0x1ab: {  	v9 =	vadd.s32 $0x80, v9;
	v8 =	vadd.s32 $0x80, v8;
	v10 =	vbroadcast v10, $0x0;
	v17 =	vld.idx.msk [tilespmem:v17+s2+$0x0], $0xffff  }
0x1ac: {  	v6 =	vadd.s32 $0x80, v6;
	v8 =	vbroadcast v8, $0x0;
	v12 =	vor.u32 v2, v12;
	v15 =	vld.idx.msk [tilespmem:v15+s2+$0x0], $0xffff  }
0x1ad: {  	v11 =	vbroadcast v11, $0x0;
	v10 =	vor.u32 v4, v10;
	v14 =	vld.idx.msk [tilespmem:v14+s2+$0x0], $0xffff;
	[tilespmem:s18+$0x70] =	vst v7;
	v7 =	vbroadcast v9, $0x0  }
0x1ae: {  	v6 =	vbroadcast v6, $0x0;
	v8 =	vor.u32 v2, v8;
	v13 =	vld.idx.msk [tilespmem:v13+s2+$0x0], $0xffff;
	[tilespmem:s18+$0xFFFFFF00] =	vst v32  }
0x1af: {  	v9 =	vor.u32 v3, v11;
	v11 =	vld.idx.msk [tilespmem:v16+s2+$0x0], $0xffff;
	v16 =	vadd.s32 $0x80, v18;
	[tilespmem:s18+$0xFFFFFF10] =	vst v31;
	v7 =	vor.u32 v0, v7  }
0x1b0: {  	v5 =	vadd.s32 $0x80, v5;
	[tilespmem:s18+$0xFFFFFF20] =	vst v57;
	v16 =	vbroadcast v16, $0x0  }
0x1b1: {  	v5 =	vbroadcast v5, $0x0;
	v6 =	vor.u32 v3, v6;
	v12 =	vld.idx.msk [tilespmem:v12+s2+$0x0], $0xffff;
	[tilespmem:s18+$0xFFFFFF30] =	vst v17  }
0x1b2: {  	v58 =	vadd.s32 $0x80, v19;
	v10 =	vld.idx.msk [tilespmem:v10+s2+$0x0], $0xffff;
	[tilespmem:s18+$0xFFFFFF50] =	vst v15;
	v16 =	vor.u32 v4, v16  }
0x1b3: {  	v59 =	vor.u32 v0, v5;
	v8 =	vld.idx.msk [tilespmem:v8+s2+$0x0], $0xffff;
	v15 =	vadd.s32 $0x80, v20;
	v17 =	vadd.s32 $0x80, v28;
	[tilespmem:s18+$0xFFFFFF60] =	vst v14  }
0x1b4: {  	v18 =	vadd.s32 $0x80, v29;
	v14 =	vadd.s32 $0x80, v21;
	v20 =	vadd.s32 $0x80, v26;
	[tilespmem:s18+$0xFFFFFF70] =	vst v13;
	v7 =	vld.idx.msk [tilespmem:v7+s2+$0x0], $0xffff  }
0x1b5: {  	v21 =	vadd.s32 $0x80, v27;
	v13 =	vadd.s32 $0x80, v22;
	v9 =	vld.idx.msk [tilespmem:v9+s2+$0x0], $0xffff;
	[tilespmem:s18+$0xFFFFFF40] =	vst v11;
	v11 =	vadd.s32 $0x80, v25  }
0x1b6: {  	v6 =	vld.idx.msk [tilespmem:v6+s2+$0x0], $0xffff;
	v22 =	vadd.s32 $0x80, v23;
	v23 =	vadd.s32 $0x80, v24;
	[tilespmem:s18+$0x10] =	vst v12;
	v11 =	vbroadcast v11, $0x0  }
0x1b7: {  	v12 =	vadd.s32 $0x80, v30;
	[tilespmem:s18+$0x30] =	vst v10;
	v60 =	vbroadcast v18, $0x0;
	v61 =	vbroadcast v14, $0x0;
	v16 =	vld.idx.msk [tilespmem:v16+s2+$0x0], $0xffff  }
0x1b8: {  	[tilespmem:s18+$0x50] =	vst v8;
	v62 =	vbroadcast v20, $0x0;
	v21 =	vbroadcast v21, $0x0;
	v10 =	vor.u32 v0, v11  }
0x1b9: {  	v63 =	vbroadcast v13, $0x0;
	v22 =	vbroadcast v22, $0x0;
	[tilespmem:s18+$0x40] =	vst v7;
	v7 =	vor.u32 v2, v11  }
0x1ba: {  	v19 =	vor.u32 v3, v11;
	[tilespmem:s18+$0x20] =	vst v9;
	v9 =	vbroadcast v15, $0x0;
	v15 =	vbroadcast v17, $0x0  }
0x1bb: {  	s19 =	simm.s32 $0x19380;
	[tilespmem:s18+$0x60] =	vst v6;
	v20 =	vbroadcast v23, $0x0;
	v18 =	vbroadcast v58, $0x0;
	v17 =	vor.u32 v4, v11  }
0x1bc: {  	v5 =	vbroadcast v12, $0x0;
	v14 =	vor.u32 v2, v15;
	v15 =	vld.idx.msk [tilespmem:v59+s2+$0x0], $0xffff;
	[tilespmem:s19+$0x70] =	vst v16;
	v16 =	vor.u32 v0, v9  }
0x1bd: {  	v12 =	vor.u32 v3, v60;
	v8 =	vor.u32 v3, v21;
	v6 =	vor.u32 v0, v22;
	v11 =	vld.idx.msk [tilespmem:v10+s2+$0x0], $0xffff  }
0x1be: {  	s21 =	simm.s32 $0x500;
	s20 =	simm.s32 $0x10;
	v10 =	vor.u32 v4, v61;
	v9 =	vor.u32 v2, v62;
	v13 =	vld.idx.msk [tilespmem:v7+s2+$0x0], $0xffff;
	v7 =	vor.u32 v4, v63  }
.LBB2_12:
0x1bf: {  	s22 =	sadd.s32 $0xFFFFFF80, s21;
	v21 =	vmov s21;
	s23 =	sadd.s32 $0xE0, s21;
	s20 =	sadd.s32 $0x10, s20;
	v19 =	vld.idx.msk [tilespmem:v19+s2+$0x0], $0xffff;
	v20 =	vor.u32 v2, v20;
	v18 =	vor.u32 v3, v18  }
0x1c0: {  	s24 =	sadd.s32 $0xFFFFFFC0, s21;
	v22 =	vmov s22;
	s22 =	sadd.s32 $0xFFFFFFA0, s21;
	v21 =	vshrl.u32 v21, $0x7;
	v23 =	vmov s23;
	p1 =	slt.u32 s20, $0x310;
	v17 =	vld.idx.msk [tilespmem:v17+s2+$0x0], $0xffff  }
0x1c1: {  	v25 =	vmov s24;
	s23 =	sadd.s32 $0x20, s21;
	s24 =	sadd.s32 $0x40, s21;
	v24 =	vmov s22;
	s22 =	sadd.s32 $0xFFFFFFE0, s21;
	v23 =	vshrl.u32 v23, $0x7;
	v16 =	vld.idx.msk [tilespmem:v16+s2+$0x0], $0xffff  }
0x1c2: {  	s25 =	sadd.s32 $0xA0, s21;
	v27 =	vmov s23;
	s23 =	sadd.s32 $0x80, s21;
	v26 =	vmov s22;
	s22 =	sadd.s32 $0x60, s21;
	v23 =	vshll.u32 v23, v1;
	v14 =	vld.idx.msk [tilespmem:v14+s2+$0x0], $0xffff;
	[tilespmem:s18+$0x0] =	vst v15  }
0x1c3: {  	s26 =	sadd.s32 $0xFFFFFF00, s21;
	v15 =	vmov s24;
	s18 =	smov.u32 s19;
	v28 =	vmov s22;
	s22 =	sadd.s32 $0xC0, s21;
	v23 =	vadd.s32 $0x80, v23;
	[tilespmem:s19+$0xFFFFFF00] =	vst v11;
	v11 =	vld.idx.msk [tilespmem:v12+s2+$0x0], $0xffff  }
0x1c4: {  	v29 =	vmov s23;
	v12 =	vmov s26;
	v23 =	vbroadcast v23, $0x0;
	[tilespmem:s19+$0xFFFFFF10] =	vst v13;
	v10 =	vld.idx.msk [tilespmem:v10+s2+$0x0], $0xffff  }
0x1c5: {  	v12 =	vshrl.u32 v12, $0x7;
	v13 =	vmov s25;
	v30 =	vmov s22;
	[tilespmem:s19+$0xFFFFFF20] =	vst v19;
	v9 =	vld.idx.msk [tilespmem:v9+s2+$0x0], $0xffff  }
0x1c6: {  	v19 =	vshrl.u32 v22, $0x7;
	v22 =	vshrl.u32 v24, $0x7;
	v23 =	vor.u32 v4, v23;
	[tilespmem:s19+$0xFFFFFF30] =	vst v17;
	v8 =	vld.idx.msk [tilespmem:v8+s2+$0x0], $0xffff  }
0x1c7: {  	v24 =	vshrl.u32 v26, $0x7;
	v17 =	vshrl.u32 v25, $0x7;
	v25 =	vshrl.u32 v27, $0x7;
	[tilespmem:s19+$0xFFFFFF40] =	vst v16;
	v7 =	vld.idx.msk [tilespmem:v7+s2+$0x0], $0xffff  }
0x1c8: {  	v15 =	vshrl.u32 v15, $0x7;
	v26 =	vshrl.u32 v29, $0x7;
	v16 =	vshrl.u32 v28, $0x7;
	[tilespmem:s19+$0xFFFFFF50] =	vst v14;
	v6 =	vld.idx.msk [tilespmem:v6+s2+$0x0], $0xffff  }
0x1c9: {  	v12 =	vshll.u32 v12, v1;
	v13 =	vshrl.u32 v13, $0x7;
	v14 =	vshrl.u32 v30, $0x7;
	[tilespmem:s19+$0xFFFFFF60] =	vst v11;
	v11 =	vld.idx.msk [tilespmem:v20+s2+$0x0], $0xffff  }
0x1ca: {  	v19 =	vshll.u32 v19, v1;
	v17 =	vshll.u32 v17, v1;
	v20 =	vshll.u32 v22, v1;
	v18 =	vld.idx.msk [tilespmem:v18+s2+$0x0], $0xffff  }
0x1cb: {  	v15 =	vshll.u32 v15, v1;
	v22 =	vshll.u32 v24, v1;
	v24 =	vshll.u32 v25, v1;
	v23 =	vld.idx.msk [tilespmem:v23+s2+$0x0], $0xffff  }
0x1cc: {  	v13 =	vshll.u32 v13, v1;
	v16 =	vshll.u32 v16, v1;
	v25 =	vshll.u32 v26, v1;
	[tilespmem:s19+$0xFFFFFF70] =	vst v10  }
0x1cd: {  	v14 =	vshll.u32 v14, v1;
	v10 =	vadd.s32 $0x80, v12;
	v12 =	vshll.u32 v21, v1;
	[tilespmem:s19+$0x10] =	vst v9  }
0x1ce: {  	v17 =	vadd.s32 $0x80, v17;
	v9 =	vadd.s32 $0x80, v19;
	v19 =	vadd.s32 $0x80, v20;
	[tilespmem:s19+$0x20] =	vst v8  }
0x1cf: {  	v15 =	vadd.s32 $0x80, v15;
	v20 =	vadd.s32 $0x80, v24;
	v8 =	vadd.s32 $0x80, v22;
	[tilespmem:s19+$0x30] =	vst v7  }
0x1d0: {  	v13 =	vadd.s32 $0x80, v13;
	v7 =	vadd.s32 $0x80, v16;
	v16 =	vadd.s32 $0x80, v25;
	s19 =	sadd.s32 $0x200, s19;
	[tilespmem:s18+$0x40] =	vst v6  }
0x1d1: {  	v6 =	vbroadcast v10, $0x0;
	v10 =	vadd.s32 $0x80, v12;
	v12 =	vadd.s32 $0x80, v14;
	[tilespmem:s19+$0x70] =	vst v23  }
0x1d2: {  	v21 =	vor.u32 v0, v5;
	v9 =	vbroadcast v9, $0x0;
	v14 =	vbroadcast v19, $0x0;
	[tilespmem:s18+$0x50] =	vst v11  }
0x1d3: {  	v22 =	vbroadcast v17, $0x0;
	v8 =	vbroadcast v8, $0x0;
	v11 =	vor.u32 v0, v6;
	[tilespmem:s18+$0x60] =	vst v18  }
0x1d4: {  	v24 =	vbroadcast v20, $0x0;
	v25 =	vbroadcast v15, $0x0;
	v23 =	vor.u32 v2, v6  }
.Ltmp7:
0x1d5: {  	v7 =	vbroadcast v7, $0x0;
	v26 =	vbroadcast v16, $0x0;
	v19 =	vor.u32 v3, v6;
	(pc) =	sbr.rel @p1 .LBB2_12-.Ltmp7, $4  }
0x1d6: {  	v20 =	vbroadcast v13, $0x0;
	v17 =	vor.u32 v4, v6;
	v18 =	vbroadcast v12, $0x0  }
0x1d7: {  	v16 =	vor.u32 v0, v9;
	v5 =	vbroadcast v10, $0x0;
	v14 =	vor.u32 v2, v14;
	v15 =	vld.idx.msk [tilespmem:v21+s2+$0x0], $0xffff  }
0x1d8: {  	v9 =	vor.u32 v2, v24;
	v10 =	vor.u32 v4, v8;
	v12 =	vor.u32 v3, v22;
	v11 =	vld.idx.msk [tilespmem:v11+s2+$0x0], $0xffff  }
0x1d9: {  	s21 =	sadd.s32 $0x200, s21;
	v8 =	vor.u32 v3, v25;
	v7 =	vor.u32 v4, v7;
	v6 =	vor.u32 v0, v26;
	v13 =	vld.idx.msk [tilespmem:v23+s2+$0x0], $0xffff  }
0x1da: {  	_ =	sdelay $0x3  }
0x1db: {  	v19 =	vld.idx.msk [tilespmem:v19+s2+$0x0], $0xffff  }
0x1dc: {  	v17 =	vld.idx.msk [tilespmem:v17+s2+$0x0], $0xffff  }
0x1dd: {  	v16 =	vld.idx.msk [tilespmem:v16+s2+$0x0], $0xffff;
	[tilespmem:s18+$0x0] =	vst v15  }
0x1de: {  	v14 =	vld.idx.msk [tilespmem:v14+s2+$0x0], $0xffff;
	[tilespmem:s19+$0xFFFFFF00] =	vst v11  }
0x1df: {  	v59 =	vld.idx.msk [tilespmem:v12+s2+$0x0], $0xffff;
	[tilespmem:s19+$0xFFFFFF10] =	vst v13  }
0x1e0: {  	v60 =	vor.u32 v2, v20;
	v10 =	vld.idx.msk [tilespmem:v10+s2+$0x0], $0xffff;
	[tilespmem:s19+$0xFFFFFF20] =	vst v19  }
0x1e1: {  	v61 =	vor.u32 v3, v18;
	v9 =	vld.idx.msk [tilespmem:v9+s2+$0x0], $0xffff;
	[tilespmem:s19+$0xFFFFFF30] =	vst v17  }
0x1e2: {  	v8 =	vld.idx.msk [tilespmem:v8+s2+$0x0], $0xffff;
	v5 =	vor.u32 v0, v5;
	[tilespmem:s19+$0xFFFFFF40] =	vst v16  }
0x1e3: {  	v7 =	vld.idx.msk [tilespmem:v7+s2+$0x0], $0xffff;
	[tilespmem:s19+$0xFFFFFF50] =	vst v14  }
0x1e4: {  	v6 =	vld.idx.msk [tilespmem:v6+s2+$0x0], $0xffff;
	[tilespmem:s19+$0xFFFFFF60] =	vst v59  }
0x1e5: {  	v62 =	vld.idx.msk [tilespmem:v60+s2+$0x0], $0xffff;
	[tilespmem:s19+$0xFFFFFF70] =	vst v10  }
0x1e6: {  	v63 =	vld.idx.msk [tilespmem:v61+s2+$0x0], $0xffff;
	[tilespmem:s19+$0x10] =	vst v9  }
0x1e7: {  	[tilespmem:s19+$0x20] =	vst v8;
	v5 =	vld.idx.msk [tilespmem:v5+s2+$0x0], $0xffff  }
0x1e8: {  	[tilespmem:s19+$0x30] =	vst v7  }
.Ltmp8:
0x1e9: {  	[tilespmem:s19+$0x40] =	vst v6;
	(pc) =	sbr.rel @p0 .LBB2_19-.Ltmp8, $4  }
0x1ea: {  	[tilespmem:s19+$0x50] =	vst v62  }
0x1eb: {  	[tilespmem:s19+$0x60] =	vst v63  }
0x1ec: {  	[tilespmem:s19+$0x0] =	vst v5  }
0x1ed: {  	[hbm4b:s9+s2] =	stream.linear.scatter [tilespmem:s14], [sflag:$0x3], $0x6400, $0x38;
	[tilespmem:$0x1F400] =	vst v63  }
0x1ee: {  	s18 =	simm.s32 $0x100;
	s19 =	simm.s32 $0x80;
	s22 =	simm.s32 $0x1E0  }
0x1ef: {  	s23 =	simm.s32 $0xA0;
	s20 =	simm.s32 $0xC0;
	s24 =	simm.s32 $0xE0;
	v5 =	vmov s18;
	v6 =	vmov s19;
	v7 =	vmov s22  }
0x1f0: {  	s25 =	simm.s32 $0x120;
	s28 =	simm.s32 $0x160;
	s29 =	simm.s32 $0x0;
	v8 =	vmov s23;
	v9 =	vmov s20;
	v10 =	vmov s24  }
0x1f1: {  	s30 =	simm.s32 $0x180;
	s21 =	simm.s32 $0x1A0;
	s31 =	simm.s32 $0x1C0;
	v12 =	vmov s25;
	v13 =	vmov s28;
	v15 =	vmov s29  }
0x1f2: {  	v16 =	vmov s30;
	v17 =	vmov s21;
	v18 =	vmov s31  }
0x1f3: {  	v5 =	vshrl.u32 v5, $0x7;
	v7 =	vshrl.u32 v7, $0x7;
	v15 =	vshrl.u32 v15, $0x7  }
0x1f4: {  	v6 =	vshrl.u32 v6, $0x7;
	v8 =	vshrl.u32 v8, $0x7;
	v9 =	vshrl.u32 v9, $0x7  }
0x1f5: {  	s20 =	simm.s32 $0x280;
	v10 =	vshrl.u32 v10, $0x7;
	v12 =	vshrl.u32 v12, $0x7;
	v20 =	vshrl.u32 v13, $0x7  }
0x1f6: {  	s23 =	simm.s32 $0x2C0;
	s24 =	simm.s32 $0x2E0;
	s25 =	simm.s32 $0x320;
	v21 =	vshrl.u32 v16, $0x7;
	v22 =	vshrl.u32 v17, $0x7;
	v35 =	vmov s20  }
0x1f7: {  	s28 =	simm.s32 $0x360;
	s29 =	simm.s32 $0x380;
	s31 =	simm.s32 $0x3C0;
	v38 =	vmov s23;
	v39 =	vmov s24;
	v40 =	vmov s25  }
0x1f8: {  	s26 =	simm.s32 $0x140;
	v42 =	vmov s28;
	v45 =	vmov s29;
	v46 =	vmov s31  }
0x1f9: {  	v11 =	vshll.u32 v7, v1;
	v7 =	vmov s26;
	v17 =	vshll.u32 v15, v1  }
0x1fa: {  	v16 =	vshll.u32 v6, v1;
	v6 =	vshrl.u32 v18, $0x7;
	v15 =	vshll.u32 v8, v1  }
0x1fb: {  	v13 =	vshll.u32 v10, v1;
	v12 =	vshll.u32 v12, v1;
	v8 =	vshll.u32 v21, v1  }
0x1fc: {  	v5 =	vshll.u32 v5, v1;
	v51 =	vshrl.u32 v40, $0x7;
	v53 =	vshrl.u32 v42, $0x7  }
0x1fd: {  	v54 =	vshrl.u32 v45, $0x7;
	v14 =	vbroadcast v11, $0x0;
	v18 =	vbroadcast v17, $0x0  }
0x1fe: {  	v7 =	vshrl.u32 v7, $0x7;
	v21 =	vbroadcast v15, $0x0;
	v24 =	vbroadcast v13, $0x0  }
0x1ff: {  	_ =	swait.ge [sflag:s15], $0xC800;
	s26 =	simm.s32 $0x340;
	v6 =	vshll.u32 v6, v1;
	v25 =	vbroadcast v12, $0x0;
	v30 =	vbroadcast v8, $0x0  }
0x200: {  	[sflag:s15] =	ssyncset.done $0x0;
	v41 =	vmov s26;
	v10 =	vshll.u32 v7, v1;
	v19 =	vor.u32 v4, v14  }
0x201: {  	[sflag:s15] =	ssyncadd.s32 $0xFFFF3800;
	v7 =	vshll.u32 v22, v1;
	v33 =	vbroadcast v6, $0x0;
	v23 =	vor.u32 v0, v18  }
0x202: {  	_ =	swait.ge [sflag:s16], $0x6400;
	v14 =	vshll.u32 v9, v1;
	v9 =	vshll.u32 v20, v1;
	v26 =	vor.u32 v2, v18  }
0x203: {  	[sflag:s16] =	ssyncset.done $0x0;
	v20 =	vbroadcast v16, $0x0;
	v27 =	vbroadcast v10, $0x0;
	v29 =	vor.u32 v3, v18  }
0x204: {  	[sflag:s16] =	ssyncadd.s32 $0xFFFF9C00;
	v31 =	vbroadcast v7, $0x0;
	v32 =	vor.u32 v4, v18;
	v18 =	vbroadcast v5, $0x0  }
0x205: {  	v21 =	vor.u32 v2, v21;
	v24 =	vor.u32 v4, v24;
	v25 =	vor.u32 v2, v25;
	v19 =	vld.idx.msk [tilespmem:v19+s12+$0x0], $0xffff  }
0x206: {  	v30 =	vor.u32 v0, v30;
	v22 =	vbroadcast v14, $0x0;
	v28 =	vbroadcast v9, $0x0;
	v23 =	vld.idx.msk [tilespmem:v23+s12+$0x0], $0xffff  }
0x207: {  	s21 =	simm.s32 $0x3E0;
	v33 =	vor.u32 v3, v33;
	v20 =	vor.u32 v0, v20;
	v27 =	vor.u32 v3, v27;
	v26 =	vld.idx.msk [tilespmem:v26+s12+$0x0], $0xffff  }
0x208: {  	s19 =	simm.s32 $0x300;
	v36 =	vor.u32 v0, v18;
	v18 =	vmov s21;
	v22 =	vor.u32 v3, v22;
	v29 =	vld.idx.msk [tilespmem:v29+s12+$0x0], $0xffff  }
0x209: {  	s22 =	simm.s32 $0x2A0;
	v34 =	vor.u32 v4, v28;
	v28 =	vmov s19;
	v18 =	vshrl.u32 v18, $0x7;
	v32 =	vld.idx.msk [tilespmem:v32+s12+$0x0], $0xffff  }
0x20a: {  	v37 =	vshrl.u32 v28, $0x7;
	v28 =	vmov s22;
	v18 =	vshll.u32 v18, v1;
	s22 =	simm.s32 $0x200;
	v47 =	vld.idx.msk [tilespmem:v21+s12+$0x0], $0xffff  }
0x20b: {  	v31 =	vor.u32 v2, v31;
	s19 =	simm.s32 $0x19100;
	v43 =	vbroadcast v18, $0x0;
	v44 =	vmov s22;
	v52 =	vld.idx.msk [tilespmem:v24+s12+$0x0], $0xffff  }
0x20c: {  	v21 =	vshrl.u32 v35, $0x7;
	v28 =	vshrl.u32 v28, $0x7;
	v24 =	vshrl.u32 v41, $0x7;
	v55 =	vld.idx.msk [tilespmem:v25+s12+$0x0], $0xffff;
	[tilespmem:s19+$0x70] =	vst v19  }
0x20d: {  	v61 =	vld.idx.msk [tilespmem:v30+s12+$0x0], $0xffff;
	v30 =	vshll.u32 v37, v1;
	v44 =	vshrl.u32 v44, $0x7;
	v28 =	vshll.u32 v28, v1;
	[tilespmem:s19+$0xFFFFFF00] =	vst v23  }
0x20e: {  	v45 =	vbroadcast v30, $0x0;
	v25 =	vshll.u32 v44, v1;
	v57 =	vld.idx.msk [tilespmem:v27+s12+$0x0], $0xffff;
	v27 =	vshll.u32 v24, v1;
	[tilespmem:s19+$0xFFFFFF10] =	vst v26  }
0x20f: {  	s30 =	simm.s32 $0x3A0;
	v62 =	vbroadcast v28, $0x0;
	v50 =	vld.idx.msk [tilespmem:v22+s12+$0x0], $0xffff;
	v22 =	vshrl.u32 v38, $0x7;
	v59 =	vbroadcast v25, $0x0;
	[tilespmem:s19+$0xFFFFFF20] =	vst v29  }
0x210: {  	v19 =	vld.idx.msk [tilespmem:v20+s12+$0x0], $0xffff;
	v20 =	vmov s30;
	v23 =	vor.u32 v4, v43;
	v26 =	vshrl.u32 v39, $0x7;
	[tilespmem:s19+$0xFFFFFF30] =	vst v32  }
0x211: {  	v29 =	vshll.u32 v22, v1;
	[tilespmem:s19+$0xFFFFFF50] =	vst v47;
	v22 =	vshll.u32 v53, v1;
	v63 =	vor.u32 v0, v59  }
0x212: {  	[tilespmem:s19+$0xFFFFFF70] =	vst v52;
	v32 =	vld.idx.msk [tilespmem:v31+s12+$0x0], $0xffff;
	v31 =	vor.u32 v2, v59;
	v52 =	vbroadcast v27, $0x0;
	v47 =	vor.u32 v3, v59  }
0x213: {  	v43 =	vor.u32 v2, v62;
	v56 =	vshrl.u32 v20, $0x7;
	v20 =	vshll.u32 v21, v1  }
0x214: {  	v35 =	vld.idx.msk [tilespmem:v33+s12+$0x0], $0xffff;
	v21 =	vshll.u32 v26, v1;
	v26 =	vshll.u32 v51, v1;
	v49 =	vbroadcast v29, $0x0  }
0x215: {  	v34 =	vld.idx.msk [tilespmem:v34+s12+$0x0], $0xffff;
	[tilespmem:s19+$0x10] =	vst v55;
	v53 =	vbroadcast v22, $0x0;
	v24 =	vshll.u32 v56, v1;
	v60 =	vbroadcast v20, $0x0  }
0x216: {  	v51 =	vbroadcast v26, $0x0;
	v37 =	vor.u32 v3, v52;
	[tilespmem:s19+$0xFFFFFF60] =	vst v50;
	v50 =	vbroadcast v21, $0x0;
	v58 =	vld.idx.msk [tilespmem:v23+s12+$0x0], $0xffff  }
0x217: {  	v33 =	vld.idx.msk [tilespmem:v36+s12+$0x0], $0xffff;
	[tilespmem:s19+$0x40] =	vst v61;
	v55 =	vbroadcast v24, $0x0;
	v40 =	vor.u32 v3, v49;
	v36 =	vor.u32 v4, v53  }
0x218: {  	[tilespmem:s19+$0xFFFFFF40] =	vst v19;
	v19 =	vshrl.u32 v46, $0x7;
	v23 =	vshll.u32 v54, v1;
	v46 =	vor.u32 v4, v59  }
0x219: {  	[tilespmem:s19+$0x20] =	vst v57;
	v44 =	vor.u32 v0, v60;
	v19 =	vshll.u32 v19, v1;
	v54 =	vbroadcast v23, $0x0  }
0x21a: {  	s20 =	simm.s32 $0x19300;
	[tilespmem:s19+$0x30] =	vst v34;
	v38 =	vor.u32 v2, v51;
	v42 =	vld.idx.msk [tilespmem:v63+s12+$0x0], $0xffff;
	v39 =	vor.u32 v4, v50;
	v48 =	vbroadcast v19, $0x0  }
0x21b: {  	s21 =	simm.s32 $0x10;
	s22 =	simm.s32 $0x500;
	v41 =	vld.idx.msk [tilespmem:v31+s12+$0x0], $0xffff;
	v31 =	vor.u32 v2, v55;
	v34 =	vor.u32 v0, v54;
	[tilespmem:s20+$0x70] =	vst v58  }
.LBB2_15:
0x21c: {  	s18 =	sadd.s32 $0xFFFFFF80, s22;
	v49 =	vmov s22;
	s23 =	sadd.s32 $0xE0, s22;
	s21 =	sadd.s32 $0x10, s21;
	v47 =	vld.idx.msk [tilespmem:v47+s12+$0x0], $0xffff;
	v45 =	vor.u32 v0, v45;
	v48 =	vor.u32 v3, v48;
	[tilespmem:s19+$0x50] =	vst v32  }
0x21d: {  	s24 =	sadd.s32 $0xFFFFFFC0, s22;
	v32 =	vmov s18;
	s18 =	sadd.s32 $0xFFFFFFA0, s22;
	v49 =	vshrl.u32 v49, $0x7;
	v50 =	vmov s23;
	p1 =	slt.u32 s21, $0x310;
	v46 =	vld.idx.msk [tilespmem:v46+s12+$0x0], $0xffff;
	[tilespmem:s19+$0x60] =	vst v35  }
0x21e: {  	v51 =	vmov s24;
	s23 =	sadd.s32 $0x20, s22;
	s24 =	sadd.s32 $0x40, s22;
	v35 =	vmov s18;
	s18 =	sadd.s32 $0xFFFFFFE0, s22;
	v50 =	vshrl.u32 v50, $0x7;
	v44 =	vld.idx.msk [tilespmem:v44+s12+$0x0], $0xffff;
	[tilespmem:s19+$0x0] =	vst v33  }
0x21f: {  	s25 =	sadd.s32 $0xA0, s22;
	v52 =	vmov s23;
	s23 =	sadd.s32 $0x80, s22;
	v33 =	vmov s18;
	s18 =	sadd.s32 $0x60, s22;
	v50 =	vshll.u32 v50, v1;
	v43 =	vld.idx.msk [tilespmem:v43+s12+$0x0], $0xffff  }
0x220: {  	s26 =	sadd.s32 $0xFFFFFF00, s22;
	v53 =	vmov s24;
	s19 =	smov.u32 s20;
	v54 =	vmov s18;
	s18 =	sadd.s32 $0xC0, s22;
	v50 =	vbroadcast v50, $0x0;
	[tilespmem:s20+$0xFFFFFF00] =	vst v42;
	v40 =	vld.idx.msk [tilespmem:v40+s12+$0x0], $0xffff  }
0x221: {  	v56 =	vmov s25;
	v55 =	vmov s23;
	v42 =	vmov s26;
	v39 =	vld.idx.msk [tilespmem:v39+s12+$0x0], $0xffff  }
0x222: {  	v42 =	vshrl.u32 v42, $0x7;
	v57 =	vmov s18;
	v50 =	vor.u32 v4, v50;
	[tilespmem:s20+$0xFFFFFF10] =	vst v41;
	v38 =	vld.idx.msk [tilespmem:v38+s12+$0x0], $0xffff  }
0x223: {  	v32 =	vshrl.u32 v32, $0x7;
	v35 =	vshrl.u32 v35, $0x7;
	v41 =	vshrl.u32 v51, $0x7;
	[tilespmem:s20+$0xFFFFFF20] =	vst v47;
	v37 =	vld.idx.msk [tilespmem:v37+s12+$0x0], $0xffff  }
0x224: {  	v33 =	vshrl.u32 v33, $0x7;
	v51 =	vshrl.u32 v53, $0x7;
	v47 =	vshrl.u32 v52, $0x7;
	[tilespmem:s20+$0xFFFFFF30] =	vst v46;
	v36 =	vld.idx.msk [tilespmem:v36+s12+$0x0], $0xffff  }
0x225: {  	v53 =	vshrl.u32 v56, $0x7;
	v52 =	vshrl.u32 v55, $0x7;
	v46 =	vshrl.u32 v54, $0x7;
	[tilespmem:s20+$0xFFFFFF40] =	vst v44;
	v34 =	vld.idx.msk [tilespmem:v34+s12+$0x0], $0xffff  }
0x226: {  	v42 =	vshll.u32 v42, v1;
	v54 =	vshrl.u32 v57, $0x7;
	v44 =	vshll.u32 v32, v1;
	[tilespmem:s20+$0xFFFFFF50] =	vst v43;
	v32 =	vld.idx.msk [tilespmem:v31+s12+$0x0], $0xffff  }
0x227: {  	v41 =	vshll.u32 v41, v1;
	v31 =	vshll.u32 v35, v1;
	v43 =	vshll.u32 v33, v1;
	v50 =	vld.idx.msk [tilespmem:v50+s12+$0x0], $0xffff  }
0x228: {  	v51 =	vshll.u32 v51, v1;
	v47 =	vshll.u32 v47, v1;
	v46 =	vshll.u32 v46, v1;
	v35 =	vld.idx.msk [tilespmem:v48+s12+$0x0], $0xffff  }
0x229: {  	v48 =	vshll.u32 v52, v1;
	v52 =	vshll.u32 v53, v1;
	v53 =	vshll.u32 v54, v1;
	v33 =	vld.idx.msk [tilespmem:v45+s12+$0x0], $0xffff  }
0x22a: {  	v42 =	vbroadcast v42, $0x0;
	v44 =	vbroadcast v44, $0x0;
	v45 =	vshll.u32 v49, v1;
	[tilespmem:s20+$0xFFFFFF60] =	vst v40  }
0x22b: {  	v31 =	vbroadcast v31, $0x0;
	v40 =	vbroadcast v41, $0x0;
	[tilespmem:s20+$0xFFFFFF70] =	vst v39  }
0x22c: {  	v49 =	vbroadcast v47, $0x0;
	v41 =	vbroadcast v43, $0x0;
	v39 =	vor.u32 v0, v42;
	s20 =	sadd.s32 $0x200, s20;
	[tilespmem:s19+$0x10] =	vst v38  }
0x22d: {  	s18 =	simm.s32 $0x19180;
	v51 =	vbroadcast v51, $0x0;
	v55 =	vbroadcast v46, $0x0;
	v54 =	vor.u32 v2, v42;
	[tilespmem:s20+$0x70] =	vst v50  }
.Ltmp9:
0x22e: {  	v47 =	vor.u32 v3, v42;
	v52 =	vbroadcast v52, $0x0;
	v50 =	vbroadcast v48, $0x0;
	[tilespmem:s19+$0x20] =	vst v37;
	(pc) =	sbr.rel @p1 .LBB2_15-.Ltmp9, $4  }
0x22f: {  	v46 =	vor.u32 v4, v42;
	v45 =	vbroadcast v45, $0x0;
	v48 =	vbroadcast v53, $0x0;
	[tilespmem:s19+$0x30] =	vst v36  }
0x230: {  	v44 =	vor.u32 v0, v44;
	v43 =	vor.u32 v2, v31;
	v40 =	vor.u32 v3, v40;
	[tilespmem:s19+$0x40] =	vst v34  }
0x231: {  	v38 =	vor.u32 v2, v49;
	v37 =	vor.u32 v3, v51;
	v42 =	vld.idx.msk [tilespmem:v39+s12+$0x0], $0xffff;
	v39 =	vor.u32 v4, v41  }
0x232: {  	s22 =	sadd.s32 $0x200, s22;
	v31 =	vor.u32 v2, v52;
	v36 =	vor.u32 v4, v55;
	v34 =	vor.u32 v0, v50;
	v41 =	vld.idx.msk [tilespmem:v54+s12+$0x0], $0xffff  }
0x233: {  	_ =	sdelay $0x3  }
0x234: {  	v47 =	vld.idx.msk [tilespmem:v47+s12+$0x0], $0xffff;
	[tilespmem:s19+$0x50] =	vst v32  }
0x235: {  	v63 =	vld.idx.msk [tilespmem:v46+s12+$0x0], $0xffff;
	[tilespmem:s19+$0x60] =	vst v35  }
0x236: {  	v44 =	vld.idx.msk [tilespmem:v44+s12+$0x0], $0xffff;
	[tilespmem:s19+$0x0] =	vst v33  }
0x237: {  	v46 =	vld.idx.msk [tilespmem:v43+s12+$0x0], $0xffff;
	[tilespmem:s20+$0xFFFFFF00] =	vst v42  }
0x238: {  	v40 =	vld.idx.msk [tilespmem:v40+s12+$0x0], $0xffff;
	[tilespmem:s20+$0xFFFFFF10] =	vst v41  }
0x239: {  	v39 =	vld.idx.msk [tilespmem:v39+s12+$0x0], $0xffff;
	[tilespmem:s20+$0xFFFFFF20] =	vst v47  }
0x23a: {  	v49 =	vor.u32 v3, v48;
	v38 =	vld.idx.msk [tilespmem:v38+s12+$0x0], $0xffff;
	[tilespmem:s20+$0xFFFFFF30] =	vst v63  }
0x23b: {  	v50 =	vor.u32 v0, v45;
	v37 =	vld.idx.msk [tilespmem:v37+s12+$0x0], $0xffff;
	[tilespmem:s20+$0xFFFFFF40] =	vst v44  }
0x23c: {  	v51 =	vld.idx.msk [tilespmem:v36+s12+$0x0], $0xffff;
	[tilespmem:s20+$0xFFFFFF50] =	vst v46  }
0x23d: {  	v52 =	vld.idx.msk [tilespmem:v34+s12+$0x0], $0xffff;
	[tilespmem:s20+$0xFFFFFF60] =	vst v40  }
0x23e: {  	v31 =	vld.idx.msk [tilespmem:v31+s12+$0x0], $0xffff;
	v11 =	vadd.s32 $0x80, v11;
	[tilespmem:s20+$0xFFFFFF70] =	vst v39  }
0x23f: {  	v17 =	vadd.s32 $0x80, v17;
	v11 =	vbroadcast v11, $0x0;
	v53 =	vld.idx.msk [tilespmem:v49+s12+$0x0], $0xffff;
	[tilespmem:s20+$0x10] =	vst v38  }
0x240: {  	v17 =	vbroadcast v17, $0x0;
	v32 =	vld.idx.msk [tilespmem:v50+s12+$0x0], $0xffff;
	[tilespmem:s20+$0x20] =	vst v37  }
0x241: {  	v11 =	vor.u32 v4, v11;
	[tilespmem:s20+$0x30] =	vst v51  }
0x242: {  	v54 =	vor.u32 v0, v17;
	[tilespmem:s20+$0x40] =	vst v52  }
0x243: {  	v15 =	vadd.s32 $0x80, v15;
	v55 =	vor.u32 v2, v17;
	[tilespmem:s20+$0x50] =	vst v31  }
0x244: {  	v14 =	vadd.s32 $0x80, v14;
	v15 =	vbroadcast v15, $0x0;
	v56 =	vor.u32 v3, v17;
	[tilespmem:s20+$0x60] =	vst v53  }
0x245: {  	v13 =	vadd.s32 $0x80, v13;
	v14 =	vbroadcast v14, $0x0;
	v17 =	vor.u32 v4, v17;
	[tilespmem:s20+$0x0] =	vst v32  }
0x246: {  	v16 =	vadd.s32 $0x80, v16;
	v13 =	vbroadcast v13, $0x0;
	v15 =	vor.u32 v2, v15;
	v11 =	vld.idx.msk [tilespmem:v11+s12+$0x0], $0xffff  }
0x247: {  	v16 =	vbroadcast v16, $0x0;
	v14 =	vor.u32 v3, v14;
	v32 =	vld.idx.msk [tilespmem:v54+s12+$0x0], $0xffff  }
0x248: {  	v12 =	vadd.s32 $0x80, v12;
	v13 =	vor.u32 v4, v13;
	v31 =	vld.idx.msk [tilespmem:v55+s12+$0x0], $0xffff  }
0x249: {  	v10 =	vadd.s32 $0x80, v10;
	v12 =	vbroadcast v12, $0x0;
	v16 =	vor.u32 v0, v16;
	v57 =	vld.idx.msk [tilespmem:v56+s12+$0x0], $0xffff  }
0x24a: {  	v9 =	vadd.s32 $0x80, v9;
	v10 =	vbroadcast v10, $0x0;
	v17 =	vld.idx.msk [tilespmem:v17+s12+$0x0], $0xffff  }
0x24b: {  	v8 =	vadd.s32 $0x80, v8;
	v9 =	vbroadcast v9, $0x0;
	v12 =	vor.u32 v2, v12;
	v15 =	vld.idx.msk [tilespmem:v15+s12+$0x0], $0xffff  }
0x24c: {  	v7 =	vadd.s32 $0x80, v7;
	v8 =	vbroadcast v8, $0x0;
	v10 =	vor.u32 v3, v10;
	v14 =	vld.idx.msk [tilespmem:v14+s12+$0x0], $0xffff;
	[tilespmem:s18+$0x70] =	vst v11  }
0x24d: {  	v6 =	vadd.s32 $0x80, v6;
	v7 =	vbroadcast v7, $0x0;
	v9 =	vor.u32 v4, v9;
	v13 =	vld.idx.msk [tilespmem:v13+s12+$0x0], $0xffff;
	[tilespmem:s18+$0xFFFFFF00] =	vst v32  }
0x24e: {  	v6 =	vbroadcast v6, $0x0;
	v8 =	vor.u32 v0, v8;
	v11 =	vld.idx.msk [tilespmem:v16+s12+$0x0], $0xffff;
	v16 =	vadd.s32 $0x80, v18;
	[tilespmem:s18+$0xFFFFFF10] =	vst v31  }
0x24f: {  	v5 =	vadd.s32 $0x80, v5;
	v7 =	vor.u32 v2, v7;
	[tilespmem:s18+$0xFFFFFF20] =	vst v57;
	v16 =	vbroadcast v16, $0x0  }
0x250: {  	v5 =	vbroadcast v5, $0x0;
	v6 =	vor.u32 v3, v6;
	v12 =	vld.idx.msk [tilespmem:v12+s12+$0x0], $0xffff;
	[tilespmem:s18+$0xFFFFFF30] =	vst v17  }
0x251: {  	v58 =	vadd.s32 $0x80, v19;
	v10 =	vld.idx.msk [tilespmem:v10+s12+$0x0], $0xffff;
	[tilespmem:s18+$0xFFFFFF50] =	vst v15;
	v16 =	vor.u32 v4, v16  }
0x252: {  	v59 =	vor.u32 v0, v5;
	v9 =	vld.idx.msk [tilespmem:v9+s12+$0x0], $0xffff;
	v15 =	vadd.s32 $0x80, v20;
	v17 =	vadd.s32 $0x80, v28;
	[tilespmem:s18+$0xFFFFFF60] =	vst v14  }
0x253: {  	v8 =	vld.idx.msk [tilespmem:v8+s12+$0x0], $0xffff;
	v18 =	vadd.s32 $0x80, v29;
	v14 =	vadd.s32 $0x80, v21;
	v20 =	vadd.s32 $0x80, v26;
	[tilespmem:s18+$0xFFFFFF70] =	vst v13  }
0x254: {  	v7 =	vld.idx.msk [tilespmem:v7+s12+$0x0], $0xffff;
	v21 =	vadd.s32 $0x80, v27;
	v13 =	vadd.s32 $0x80, v22;
	[tilespmem:s18+$0xFFFFFF40] =	vst v11;
	v11 =	vadd.s32 $0x80, v25  }
0x255: {  	v6 =	vld.idx.msk [tilespmem:v6+s12+$0x0], $0xffff;
	v22 =	vadd.s32 $0x80, v23;
	v23 =	vadd.s32 $0x80, v24;
	[tilespmem:s18+$0x10] =	vst v12;
	v11 =	vbroadcast v11, $0x0  }
0x256: {  	v12 =	vadd.s32 $0x80, v30;
	[tilespmem:s18+$0x20] =	vst v10;
	v10 =	vbroadcast v15, $0x0;
	v15 =	vbroadcast v17, $0x0;
	v16 =	vld.idx.msk [tilespmem:v16+s12+$0x0], $0xffff  }
0x257: {  	[tilespmem:s18+$0x30] =	vst v9;
	v60 =	vbroadcast v18, $0x0;
	v61 =	vbroadcast v14, $0x0;
	v9 =	vor.u32 v0, v11  }
0x258: {  	[tilespmem:s18+$0x40] =	vst v8;
	v62 =	vbroadcast v20, $0x0;
	v21 =	vbroadcast v21, $0x0;
	v8 =	vor.u32 v2, v11  }
0x259: {  	[tilespmem:s18+$0x50] =	vst v7;
	v63 =	vbroadcast v13, $0x0;
	v22 =	vbroadcast v22, $0x0;
	v19 =	vor.u32 v3, v11  }
0x25a: {  	s19 =	simm.s32 $0x19380;
	[tilespmem:s18+$0x60] =	vst v6;
	v20 =	vbroadcast v23, $0x0;
	v18 =	vbroadcast v58, $0x0;
	v17 =	vor.u32 v4, v11  }
0x25b: {  	v5 =	vbroadcast v12, $0x0;
	v14 =	vor.u32 v2, v15;
	v15 =	vld.idx.msk [tilespmem:v59+s12+$0x0], $0xffff;
	[tilespmem:s19+$0x70] =	vst v16;
	v16 =	vor.u32 v0, v10  }
0x25c: {  	v12 =	vor.u32 v3, v60;
	v7 =	vor.u32 v4, v63;
	v6 =	vor.u32 v0, v22;
	v11 =	vld.idx.msk [tilespmem:v9+s12+$0x0], $0xffff  }
0x25d: {  	s21 =	simm.s32 $0x500;
	s20 =	simm.s32 $0x10;
	v10 =	vor.u32 v4, v61;
	v9 =	vor.u32 v2, v62;
	v13 =	vld.idx.msk [tilespmem:v8+s12+$0x0], $0xffff;
	v8 =	vor.u32 v3, v21  }
.LBB2_17:
0x25e: {  	s22 =	sadd.s32 $0xFFFFFF80, s21;
	v21 =	vmov s21;
	s23 =	sadd.s32 $0xE0, s21;
	s20 =	sadd.s32 $0x10, s20;
	v19 =	vld.idx.msk [tilespmem:v19+s12+$0x0], $0xffff;
	v20 =	vor.u32 v2, v20;
	v18 =	vor.u32 v3, v18  }
0x25f: {  	s24 =	sadd.s32 $0xFFFFFFC0, s21;
	v22 =	vmov s22;
	s22 =	sadd.s32 $0xFFFFFFA0, s21;
	v21 =	vshrl.u32 v21, $0x7;
	v23 =	vmov s23;
	p1 =	slt.u32 s20, $0x310;
	v17 =	vld.idx.msk [tilespmem:v17+s12+$0x0], $0xffff  }
0x260: {  	v25 =	vmov s24;
	s23 =	sadd.s32 $0x20, s21;
	s24 =	sadd.s32 $0x40, s21;
	v24 =	vmov s22;
	s22 =	sadd.s32 $0xFFFFFFE0, s21;
	v23 =	vshrl.u32 v23, $0x7;
	v16 =	vld.idx.msk [tilespmem:v16+s12+$0x0], $0xffff  }
0x261: {  	s25 =	sadd.s32 $0xA0, s21;
	v27 =	vmov s23;
	s23 =	sadd.s32 $0x80, s21;
	v26 =	vmov s22;
	s22 =	sadd.s32 $0x60, s21;
	v23 =	vshll.u32 v23, v1;
	v14 =	vld.idx.msk [tilespmem:v14+s12+$0x0], $0xffff;
	[tilespmem:s18+$0x0] =	vst v15  }
0x262: {  	s26 =	sadd.s32 $0xFFFFFF00, s21;
	v15 =	vmov s24;
	s18 =	smov.u32 s19;
	v28 =	vmov s22;
	s22 =	sadd.s32 $0xC0, s21;
	v23 =	vadd.s32 $0x80, v23;
	[tilespmem:s19+$0xFFFFFF00] =	vst v11;
	v11 =	vld.idx.msk [tilespmem:v12+s12+$0x0], $0xffff  }
0x263: {  	v29 =	vmov s23;
	v12 =	vmov s26;
	v23 =	vbroadcast v23, $0x0;
	[tilespmem:s19+$0xFFFFFF10] =	vst v13;
	v10 =	vld.idx.msk [tilespmem:v10+s12+$0x0], $0xffff  }
0x264: {  	v12 =	vshrl.u32 v12, $0x7;
	v13 =	vmov s25;
	v30 =	vmov s22;
	[tilespmem:s19+$0xFFFFFF20] =	vst v19;
	v9 =	vld.idx.msk [tilespmem:v9+s12+$0x0], $0xffff  }
0x265: {  	v19 =	vshrl.u32 v22, $0x7;
	v22 =	vshrl.u32 v24, $0x7;
	v23 =	vor.u32 v4, v23;
	[tilespmem:s19+$0xFFFFFF30] =	vst v17;
	v8 =	vld.idx.msk [tilespmem:v8+s12+$0x0], $0xffff  }
0x266: {  	v24 =	vshrl.u32 v26, $0x7;
	v17 =	vshrl.u32 v25, $0x7;
	v25 =	vshrl.u32 v27, $0x7;
	[tilespmem:s19+$0xFFFFFF40] =	vst v16;
	v7 =	vld.idx.msk [tilespmem:v7+s12+$0x0], $0xffff  }
0x267: {  	v15 =	vshrl.u32 v15, $0x7;
	v26 =	vshrl.u32 v29, $0x7;
	v16 =	vshrl.u32 v28, $0x7;
	[tilespmem:s19+$0xFFFFFF50] =	vst v14;
	v6 =	vld.idx.msk [tilespmem:v6+s12+$0x0], $0xffff  }
0x268: {  	v12 =	vshll.u32 v12, v1;
	v13 =	vshrl.u32 v13, $0x7;
	v14 =	vshrl.u32 v30, $0x7;
	[tilespmem:s19+$0xFFFFFF60] =	vst v11;
	v11 =	vld.idx.msk [tilespmem:v20+s12+$0x0], $0xffff  }
0x269: {  	v19 =	vshll.u32 v19, v1;
	v17 =	vshll.u32 v17, v1;
	v20 =	vshll.u32 v22, v1;
	v18 =	vld.idx.msk [tilespmem:v18+s12+$0x0], $0xffff  }
0x26a: {  	v15 =	vshll.u32 v15, v1;
	v22 =	vshll.u32 v24, v1;
	v24 =	vshll.u32 v25, v1;
	v23 =	vld.idx.msk [tilespmem:v23+s12+$0x0], $0xffff  }
0x26b: {  	v13 =	vshll.u32 v13, v1;
	v16 =	vshll.u32 v16, v1;
	v25 =	vshll.u32 v26, v1;
	[tilespmem:s19+$0xFFFFFF70] =	vst v10  }
0x26c: {  	v14 =	vshll.u32 v14, v1;
	v10 =	vadd.s32 $0x80, v12;
	v12 =	vshll.u32 v21, v1;
	[tilespmem:s19+$0x10] =	vst v9  }
0x26d: {  	v17 =	vadd.s32 $0x80, v17;
	v9 =	vadd.s32 $0x80, v19;
	v19 =	vadd.s32 $0x80, v20;
	[tilespmem:s19+$0x20] =	vst v8  }
0x26e: {  	v15 =	vadd.s32 $0x80, v15;
	v20 =	vadd.s32 $0x80, v24;
	v8 =	vadd.s32 $0x80, v22;
	[tilespmem:s19+$0x30] =	vst v7  }
0x26f: {  	v13 =	vadd.s32 $0x80, v13;
	v7 =	vadd.s32 $0x80, v16;
	v16 =	vadd.s32 $0x80, v25;
	s19 =	sadd.s32 $0x200, s19;
	[tilespmem:s18+$0x40] =	vst v6  }
0x270: {  	v6 =	vbroadcast v10, $0x0;
	v10 =	vadd.s32 $0x80, v12;
	v12 =	vadd.s32 $0x80, v14;
	[tilespmem:s19+$0x70] =	vst v23  }
0x271: {  	v21 =	vor.u32 v0, v5;
	v9 =	vbroadcast v9, $0x0;
	v14 =	vbroadcast v19, $0x0;
	[tilespmem:s18+$0x50] =	vst v11  }
0x272: {  	v22 =	vbroadcast v17, $0x0;
	v8 =	vbroadcast v8, $0x0;
	v11 =	vor.u32 v0, v6;
	[tilespmem:s18+$0x60] =	vst v18  }
0x273: {  	v24 =	vbroadcast v20, $0x0;
	v25 =	vbroadcast v15, $0x0;
	v23 =	vor.u32 v2, v6  }
.Ltmp10:
0x274: {  	v7 =	vbroadcast v7, $0x0;
	v26 =	vbroadcast v16, $0x0;
	v19 =	vor.u32 v3, v6;
	(pc) =	sbr.rel @p1 .LBB2_17-.Ltmp10, $4  }
0x275: {  	v20 =	vbroadcast v13, $0x0;
	v17 =	vor.u32 v4, v6;
	v18 =	vbroadcast v12, $0x0  }
0x276: {  	v16 =	vor.u32 v0, v9;
	v5 =	vbroadcast v10, $0x0;
	v14 =	vor.u32 v2, v14;
	v15 =	vld.idx.msk [tilespmem:v21+s12+$0x0], $0xffff  }
0x277: {  	v9 =	vor.u32 v2, v24;
	v10 =	vor.u32 v4, v8;
	v12 =	vor.u32 v3, v22;
	v11 =	vld.idx.msk [tilespmem:v11+s12+$0x0], $0xffff  }
0x278: {  	s21 =	sadd.s32 $0x200, s21;
	v8 =	vor.u32 v3, v25;
	v7 =	vor.u32 v4, v7;
	v6 =	vor.u32 v0, v26;
	v13 =	vld.idx.msk [tilespmem:v23+s12+$0x0], $0xffff  }
.Ltmp11:
0x279: {  	_ = 	snop;
	(pc) =	sbr.rel .LBB2_18-.Ltmp11, $1  }
0x27a: {  	_ =	sdelay $0x3  }
.LBB2_20:
0x27b: {  	_ =	sfence.sel $0x180000  }
0x27c: {  	[bflag:$0x0] =	sbarrier.arrive $0xFFFF  }
0x27d: {  	p0 =	sne.s32 s0, $0x0;
	_ =	strace $0x90000047  }
0x27e: {  	s0 =	sadd.s32 @!p0 $0x100000, s1;
	[bflag:$0x2] =	sbarrier.arrive $0xFFFF  }
0x27f: {  	[sflag:s0] =	ssyncadd.tile.s32 @!p0 $0x1;
	_ =	shalt  }
.Lfunc_end2:
_tile_overlayer_lowered:
.L_overlay_start_2:
0x280: {  	(tag) =	ssettag $0x2  }
0x281: {  	s0 =	rddreg [dreg:$0x0];
	s2 =	stileid.u32  }
0x282: {  	s1 =	rddreg [dreg:$0x1];
	p0 =	sne.s32 s2, $0x0  }
0x283: {  	s3 =	rddreg [dreg:$0x2];
	[bflag:$0x3] =	sbarrier.arrive $0xFFFF;
	s2 =	simm.s32 @!p0 $0x1C04  }
0x284: {  	[timem:s3], [sflag:s2] =	dma.local @!p0 [hbm:s0], s1  }
0x285: {  	s0 =	simm.s32 @!p0 $0x4  }
0x286: {  	_ =	swait.ge @!p0 [sflag:s0], s1  }
0x287: {  	s1 =	ssub.s32 @!p0 $0x0, s1;
	[sflag:s0] =	ssyncset.done @!p0 $0x0  }
0x288: {  	[sflag:s0] =	ssyncadd.s32 @!p0 s1  }
0x289: {  	[bflag:$0x3] =	sbarrier.arrive $0xFFFF  }
0x28a: {  	_ =	shalt  }

</sc_bundles>
